<compile_context>
chip_gen: v7x
topology: tpu7x:2x2x1
jax: 0.10.2.dev20260603
libtpu: 0.0.44.dev20260713+nightly
codegen_flags: <defaults>
</compile_context>

<pallas_src>
import functools

import jax
import jax.numpy as jnp
from jax import lax
from jax.experimental import pallas as pl
from jax.experimental.pallas import tpu as pltpu
from jax.experimental.pallas import tpu_sc as plsc

N = 10000
DF = 128
NE = 320000
NC = 2
NS = 16
NW = NC * NS
CH = 80
NP = 10112
RPT = NP // NS
NCHUNK = NE // CH
CPW = NCHUNK // NW
KB = 5
NWAVE = CPW // KB

_mesh = plsc.VectorSubcoreMesh(
    core_axis_name="c", subcore_axis_name="s", num_cores=NC, num_subcores=NS)
_sc_params = pltpu.CompilerParams(use_tc_tiling_on_sc=False)


def _sc_scatter(d):

  @functools.partial(
      pl.kernel,
      out_type=jax.ShapeDtypeStruct((NC, NP, d), jnp.float32),
      mesh=_mesh,
      compiler_params=_sc_params,
      scratch_types=[
          pltpu.VMEM_SHARED((NP, d), jnp.float32),
          pltpu.VMEM_SHARED((NP, d), jnp.float32),
          pltpu.VMEM((2, CPW * CH), jnp.int32),
          pltpu.VMEM((KB, CH, d), jnp.float32),
          pltpu.VMEM((RPT, d), jnp.float32),
          pltpu.SemaphoreType.DMA,
          pltpu.SemaphoreType.DMA,
      ],
  )
  def k(table, eim, zrow, out, acc, tab_s, sdidx, rows, stage, gsem, ssem):
    c = lax.axis_index("c")
    s = lax.axis_index("s")
    wid = s * NC + c
    pltpu.sync_copy(zrow, stage)
    pltpu.sync_copy(stage, acc.at[pl.ds(s * RPT, RPT)])
    pltpu.sync_copy(table.at[pl.ds(s * RPT, RPT)], stage)
    pltpu.sync_copy(stage, tab_s.at[pl.ds(s * RPT, RPT)])
    pltpu.sync_copy(eim.at[:, pl.ds(wid * CPW * CH, CPW * CH)], sdidx)
    plsc.subcore_barrier()

    def step(w, carry):
      j = w * KB
      gd = [pltpu.async_copy(tab_s.at[sdidx.at[0, pl.ds((j + b) * CH, CH)]],
                             rows.at[b], gsem)
            for b in range(KB)]
      sd = []
      for b in range(KB):
        gd[b].wait()
        sd.append(pltpu.async_copy(
            rows.at[b], acc.at[sdidx.at[1, pl.ds((j + b) * CH, CH)]],
            ssem, add=True))
      for t in sd:
        t.wait()
      return carry

    lax.fori_loop(0, NWAVE, step, 0, unroll=False)
    plsc.subcore_barrier()
    pltpu.sync_copy(acc.at[pl.ds(s * RPT, RPT)], stage)
    pltpu.sync_copy(stage, out.at[c, pl.ds(s * RPT, RPT)])

  return k


@functools.partial(
    pl.kernel,
    out_type=jax.ShapeDtypeStruct((NC, NP, 8), jnp.float32),
    mesh=_mesh,
    compiler_params=_sc_params,
    scratch_types=[
        pltpu.VMEM_SHARED((NP, 8), jnp.float32),
        pltpu.VMEM((CPW * CH,), jnp.int32),
        pltpu.VMEM((CH, 8), jnp.float32),
        pltpu.VMEM((RPT, 8), jnp.float32),
        pltpu.SemaphoreType.DMA,
    ],
)
def _sc_degree(eim, onesrow, zrow, out, acc, didx, ones_v, stage, sem):
  c = lax.axis_index("c")
  s = lax.axis_index("s")
  wid = s * NC + c
  pltpu.sync_copy(zrow, stage)
  pltpu.sync_copy(stage, acc.at[pl.ds(s * RPT, RPT)])
  pltpu.sync_copy(onesrow, ones_v)
  pltpu.sync_copy(eim.at[1, pl.ds(wid * CPW * CH, CPW * CH)], didx)
  plsc.subcore_barrier()

  def step(w, carry):
    j = w * KB
    sd = [pltpu.async_copy(ones_v, acc.at[didx.at[pl.ds((j + b) * CH, CH)]],
                           sem, add=True)
          for b in range(KB)]
    for t in sd:
      t.wait()
    return carry

  lax.fori_loop(0, NWAVE, step, 0, unroll=False)
  plsc.subcore_barrier()
  pltpu.sync_copy(acc.at[pl.ds(s * RPT, RPT)], stage)
  pltpu.sync_copy(stage, out.at[c, pl.ds(s * RPT, RPT)])


FR = NP * 8 // 128


def _tc_pre(degf_ref, xp_ref, w1b_ref, u_ref, g1_ref):
  u = lax.rsqrt(degf_ref[0:FR] + degf_ref[FR:2 * FR] + 1.0)
  u_ref[...] = u
  g1_ref[...] = jnp.dot(xp_ref[...], w1b_ref[...],
                        preferred_element_type=jnp.float32) * u


def _tc_mid(a1f_ref, g1f_ref, uf_ref, b1t_ref, w2b_ref, g2_ref):
  u = uf_ref[...]
  hp = jnp.maximum(
      u * (a1f_ref[0:FR] + a1f_ref[FR:2 * FR] + g1f_ref[...]) + b1t_ref[...],
      0.0)
  g2_ref[...] = jnp.dot(hp, w2b_ref[...],
                        preferred_element_type=jnp.float32) * u


def _tc_post(a2f_ref, g2f_ref, uf_ref, b2t_ref, o_ref):
  u = uf_ref[...]
  of = (u * (a2f_ref[0:FR] + a2f_ref[FR:2 * FR] + g2f_ref[...])
        + b2t_ref[...])
  lane = jax.lax.broadcasted_iota(jnp.int32, (FR, 128), 1)
  partner = jnp.where((lane % 8) == 0, jnp.roll(of, -1, axis=1),
                      jnp.roll(of, 1, axis=1))
  m = jnp.maximum(of, partner)
  o_ref[...] = (of - m) - jnp.log(jnp.exp(of - m) + jnp.exp(partner - m))


_scatter8 = _sc_scatter(8)


def kernel(x, edge_index, W1, b1, W2, b2):
  eim = edge_index.astype(jnp.int32)
  onesrow = jnp.ones((CH, 8), jnp.float32)
  z8 = jnp.zeros((RPT, 8), jnp.float32)
  eye16 = jnp.eye(16, dtype=jnp.float32)
  xp = jnp.pad(x, ((0, NP - N), (0, 0))).reshape(FR, 16 * DF)
  w1b = jnp.kron(eye16, W1)
  w2b = jnp.kron(eye16, jnp.pad(W2, ((0, 0), (0, 6))))
  b1t = jnp.tile(b1, 16).reshape(1, 128)
  b2t = jnp.tile(jnp.pad(b2, (0, 6)), 16).reshape(1, 128)

  degp = _sc_degree(eim, onesrow, z8)

  uf, g1f = pl.pallas_call(
      _tc_pre,
      out_shape=[jax.ShapeDtypeStruct((FR, 128), jnp.float32),
                 jax.ShapeDtypeStruct((FR, 128), jnp.float32)],
  )(degp.reshape(2 * FR, 128), xp, w1b)

  a1 = _scatter8(g1f.reshape(NP, 8), eim, z8)

  g2f = pl.pallas_call(
      _tc_mid,
      out_shape=jax.ShapeDtypeStruct((FR, 128), jnp.float32),
  )(a1.reshape(2 * FR, 128), g1f, uf, b1t, w2b)

  a2 = _scatter8(g2f.reshape(NP, 8), eim, z8)

  of = pl.pallas_call(
      _tc_post,
      out_shape=jax.ShapeDtypeStruct((FR, 128), jnp.float32),
  )(a2.reshape(2 * FR, 128), g2f, uf, b2t)

  return of.reshape(NP, 8)[:N, :2]

# --- scband reference (transcript-rebuilt; emitter-appended) ---
"""Pipeline reference for scband-gnncredit-model-53669911331244 (READ-ONLY COPY).

The authoritative reference and input builder live on the scoring server;
editing this copy changes nothing except your own understanding.
"""

import jax, jax.numpy as jnp
import numpy as np

N_NODES = 10000
N_EDGES = 320000
D_FEAT = 128


def gcn_conv(x, edge_index, W, b):
    num_nodes = x.shape[0]
    src = jnp.concatenate([edge_index[0], jnp.arange(num_nodes, dtype=edge_index.dtype)])
    dst = jnp.concatenate([edge_index[1], jnp.arange(num_nodes, dtype=edge_index.dtype)])
    # symmetric normalization with self-loops (PyG GCNConv default)
    deg = jnp.zeros((num_nodes,), dtype=x.dtype).at[dst].add(1.0)
    deg_inv_sqrt = jnp.where(deg > 0, deg ** -0.5, 0.0)
    norm = deg_inv_sqrt[src] * deg_inv_sqrt[dst]
    # linear transform first (as in PyG), then propagate
    h = x @ W
    msg = h[src] * norm[:, None]
    out = jnp.zeros((num_nodes, W.shape[1]), dtype=x.dtype).at[dst].add(msg)
    return out + b


def setup_inputs(seed: int = 0) -> dict:
    key = jax.random.key(seed)
    k_x, k_e, k_w1, k_b1, k_w2, k_b2 = jax.random.split(key, 6)
    x = jax.random.normal(k_x, (N_NODES, D_FEAT), dtype=jnp.float32)
    edge_index = jax.random.randint(k_e, (2, N_EDGES), 0, N_NODES, dtype=jnp.int64)
    W1 = jax.random.normal(k_w1, (D_FEAT, 8), dtype=jnp.float32) * (1.0 / np.sqrt(D_FEAT))
    b1 = jnp.zeros((8,), dtype=jnp.float32)
    W2 = jax.random.normal(k_w2, (8, 2), dtype=jnp.float32) * (1.0 / np.sqrt(8))
    b2 = jnp.zeros((2,), dtype=jnp.float32)
    return {"x": x, "edge_index": edge_index, "W1": W1, "b1": b1, "W2": W2, "b2": b2}


def reference(x, edge_index, W1, b1, W2, b2):
    h = jax.nn.relu(gcn_conv(x, edge_index, W1, b1))
    h = gcn_conv(h, edge_index, W2, b2)
    return jax.nn.log_softmax(h, axis=1)

if __name__ == "__main__":
    import jax
    _d = setup_inputs()
    print(jax.jit(kernel)(*tuple(_d.values())))

</pallas_src>

<mosaic_0001>
#map = affine_map<(d0, d1) -> (0, 0)>
#map1 = affine_map<(d0, d1) -> (0, 0, 0)>
module attributes {stable_mosaic.version = 14 : i64} {
  func.func @k(%arg0: i32, %arg1: i32, %arg2: memref<10112x8xf32, #tpu.memory_space<hbm>>, %arg3: memref<2x320000xi32, #tpu.memory_space<hbm>>, %arg4: memref<632x8xf32, #tpu.memory_space<hbm>>, %arg5: memref<2x10112x8xf32, #tpu.memory_space<hbm>>, %arg6: memref<10112x8xf32, #tpu.memory_space<vmem_shared>>, %arg7: memref<10112x8xf32, #tpu.memory_space<vmem_shared>>, %arg8: memref<2x10000xi32, #tpu.memory_space<vmem>>, %arg9: memref<5x80x8xf32, #tpu.memory_space<vmem>>, %arg10: memref<632x8xf32, #tpu.memory_space<vmem>>, %arg11: memref<!tpu.dma_semaphore, #tpu.memory_space<semaphore_mem>>, %arg12: memref<!tpu.dma_semaphore, #tpu.memory_space<semaphore_mem>>) attributes {dimension_semantics = [#tpu.dimension_semantics<core_parallel>, #tpu.dimension_semantics<subcore_parallel>], iteration_bounds = array<i64: 2, 16>, scalar_prefetch = 0 : i64, scratch_operands = 7 : i64, tpu.core_type = #tpu.core_type<sc_vector_subcore>, window_params = [{transform_indices = #map}, {transform_indices = #map}, {transform_indices = #map}, {transform_indices = #map1}]} {
    %mul3A = arith.constant 2 : i32
    %mul3A_0 = arith.muli %arg1, %mul3A : i32
    %add3A = arith.addi %mul3A_0, %arg0 : i32
    "tpu.region"() ({
      %run_scoped3A = tpu.sem_alloc : memref<!tpu.dma_semaphore, #tpu.memory_space<semaphore_mem>>
      tpu.enqueue_dma source(%arg4 : memref<632x8xf32, #tpu.memory_space<hbm>>) target(%arg10 : memref<632x8xf32, #tpu.memory_space<vmem>>) target_semaphore(%run_scoped3A : memref<!tpu.dma_semaphore, #tpu.memory_space<semaphore_mem>>)
      tpu.wait_dma2 semaphore(%run_scoped3A : memref<!tpu.dma_semaphore, #tpu.memory_space<semaphore_mem>>) src(%arg4 : memref<632x8xf32, #tpu.memory_space<hbm>>) dst(%arg10 : memref<632x8xf32, #tpu.memory_space<vmem>>)
      tpu.yield
    }) : () -> ()
    %mul3A_1 = arith.constant 632 : i32
    %mul3A_2 = arith.muli %arg1, %mul3A_1 : i32
    "tpu.region"() ({
      %run_scoped3A = tpu.sem_alloc : memref<!tpu.dma_semaphore, #tpu.memory_space<semaphore_mem>>
      %dma_start3A = arith.constant 0 : i32
      %dma_start3A_21 = tpu.memref_slice %arg6[%mul3A_2, %dma_start3A] : memref<10112x8xf32, #tpu.memory_space<vmem_shared>> -> memref<632x8xf32, #tpu.memory_space<vmem_shared>>
      %dma_start3A_22 = arith.constant 0 : i32
      %dma_start3A_23 = tpu.memref_slice %arg6[%mul3A_2, %dma_start3A_22] : memref<10112x8xf32, #tpu.memory_space<vmem_shared>> -> memref<632x8xf32, #tpu.memory_space<vmem_shared>>
      tpu.enqueue_dma source(%arg10 : memref<632x8xf32, #tpu.memory_space<vmem>>) target(%dma_start3A_23 : memref<632x8xf32, #tpu.memory_space<vmem_shared>>) target_semaphore(%run_scoped3A : memref<!tpu.dma_semaphore, #tpu.memory_space<semaphore_mem>>)
      %dma_wait3A = arith.constant 0 : i32
      %dma_wait3A_24 = tpu.memref_slice %arg6[%mul3A_2, %dma_wait3A] : memref<10112x8xf32, #tpu.memory_space<vmem_shared>> -> memref<632x8xf32, #tpu.memory_space<vmem_shared>>
      %dma_wait3A_25 = arith.constant 0 : i32
      %dma_wait3A_26 = tpu.memref_slice %arg6[%mul3A_2, %dma_wait3A_25] : memref<10112x8xf32, #tpu.memory_space<vmem_shared>> -> memref<632x8xf32, #tpu.memory_space<vmem_shared>>
      tpu.wait_dma2 semaphore(%run_scoped3A : memref<!tpu.dma_semaphore, #tpu.memory_space<semaphore_mem>>) src(%arg10 : memref<632x8xf32, #tpu.memory_space<vmem>>) dst(%dma_wait3A_26 : memref<632x8xf32, #tpu.memory_space<vmem_shared>>)
      tpu.yield
    }) : () -> ()
    %mul3A_3 = arith.constant 632 : i32
    %mul3A_4 = arith.muli %arg1, %mul3A_3 : i32
    "tpu.region"() ({
      %run_scoped3A = tpu.sem_alloc : memref<!tpu.dma_semaphore, #tpu.memory_space<semaphore_mem>>
      %dma_start3A = arith.constant 0 : i32
      %dma_start3A_21 = tpu.memref_slice %arg2[%mul3A_4, %dma_start3A] : memref<10112x8xf32, #tpu.memory_space<hbm>> -> memref<632x8xf32, #tpu.memory_space<hbm>>
      %dma_start3A_22 = arith.constant 0 : i32
      %dma_start3A_23 = tpu.memref_slice %arg2[%mul3A_4, %dma_start3A_22] : memref<10112x8xf32, #tpu.memory_space<hbm>> -> memref<632x8xf32, #tpu.memory_space<hbm>>
      tpu.enqueue_dma source(%dma_start3A_23 : memref<632x8xf32, #tpu.memory_space<hbm>>) target(%arg10 : memref<632x8xf32, #tpu.memory_space<vmem>>) target_semaphore(%run_scoped3A : memref<!tpu.dma_semaphore, #tpu.memory_space<semaphore_mem>>)
      %dma_wait3A = arith.constant 0 : i32
      %dma_wait3A_24 = tpu.memref_slice %arg2[%mul3A_4, %dma_wait3A] : memref<10112x8xf32, #tpu.memory_space<hbm>> -> memref<632x8xf32, #tpu.memory_space<hbm>>
      %dma_wait3A_25 = arith.constant 0 : i32
      %dma_wait3A_26 = tpu.memref_slice %arg2[%mul3A_4, %dma_wait3A_25] : memref<10112x8xf32, #tpu.memory_space<hbm>> -> memref<632x8xf32, #tpu.memory_space<hbm>>
      tpu.wait_dma2 semaphore(%run_scoped3A : memref<!tpu.dma_semaphore, #tpu.memory_space<semaphore_mem>>) src(%dma_wait3A_26 : memref<632x8xf32, #tpu.memory_space<hbm>>) dst(%arg10 : memref<632x8xf32, #tpu.memory_space<vmem>>)
      tpu.yield
    }) : () -> ()
    %mul3A_5 = arith.constant 632 : i32
    %mul3A_6 = arith.muli %arg1, %mul3A_5 : i32
    "tpu.region"() ({
      %run_scoped3A = tpu.sem_alloc : memref<!tpu.dma_semaphore, #tpu.memory_space<semaphore_mem>>
      %dma_start3A = arith.constant 0 : i32
      %dma_start3A_21 = tpu.memref_slice %arg7[%mul3A_6, %dma_start3A] : memref<10112x8xf32, #tpu.memory_space<vmem_shared>> -> memref<632x8xf32, #tpu.memory_space<vmem_shared>>
      %dma_start3A_22 = arith.constant 0 : i32
      %dma_start3A_23 = tpu.memref_slice %arg7[%mul3A_6, %dma_start3A_22] : memref<10112x8xf32, #tpu.memory_space<vmem_shared>> -> memref<632x8xf32, #tpu.memory_space<vmem_shared>>
      tpu.enqueue_dma source(%arg10 : memref<632x8xf32, #tpu.memory_space<vmem>>) target(%dma_start3A_23 : memref<632x8xf32, #tpu.memory_space<vmem_shared>>) target_semaphore(%run_scoped3A : memref<!tpu.dma_semaphore, #tpu.memory_space<semaphore_mem>>)
      %dma_wait3A = arith.constant 0 : i32
      %dma_wait3A_24 = tpu.memref_slice %arg7[%mul3A_6, %dma_wait3A] : memref<10112x8xf32, #tpu.memory_space<vmem_shared>> -> memref<632x8xf32, #tpu.memory_space<vmem_shared>>
      %dma_wait3A_25 = arith.constant 0 : i32
      %dma_wait3A_26 = tpu.memref_slice %arg7[%mul3A_6, %dma_wait3A_25] : memref<10112x8xf32, #tpu.memory_space<vmem_shared>> -> memref<632x8xf32, #tpu.memory_space<vmem_shared>>
      tpu.wait_dma2 semaphore(%run_scoped3A : memref<!tpu.dma_semaphore, #tpu.memory_space<semaphore_mem>>) src(%arg10 : memref<632x8xf32, #tpu.memory_space<vmem>>) dst(%dma_wait3A_26 : memref<632x8xf32, #tpu.memory_space<vmem_shared>>)
      tpu.yield
    }) : () -> ()
    %mul3A_7 = arith.constant 125 : i32
    %mul3A_8 = arith.muli %add3A, %mul3A_7 : i32
    %mul3A_9 = arith.constant 80 : i32
    %mul3A_10 = arith.muli %mul3A_8, %mul3A_9 : i32
    "tpu.region"() ({
      %run_scoped3A = tpu.sem_alloc : memref<!tpu.dma_semaphore, #tpu.memory_space<semaphore_mem>>
      %dma_start3A = arith.constant 0 : i32
      %dma_start3A_21 = tpu.memref_slice %arg3[%dma_start3A, %mul3A_10] : memref<2x320000xi32, #tpu.memory_space<hbm>> -> memref<2x10000xi32, #tpu.memory_space<hbm>>
      %dma_start3A_22 = arith.constant 0 : i32
      %dma_start3A_23 = tpu.memref_slice %arg3[%dma_start3A_22, %mul3A_10] : memref<2x320000xi32, #tpu.memory_space<hbm>> -> memref<2x10000xi32, #tpu.memory_space<hbm>>
      tpu.enqueue_dma source(%dma_start3A_23 : memref<2x10000xi32, #tpu.memory_space<hbm>>) target(%arg8 : memref<2x10000xi32, #tpu.memory_space<vmem>>) target_semaphore(%run_scoped3A : memref<!tpu.dma_semaphore, #tpu.memory_space<semaphore_mem>>)
      %dma_wait3A = arith.constant 0 : i32
      %dma_wait3A_24 = tpu.memref_slice %arg3[%dma_wait3A, %mul3A_10] : memref<2x320000xi32, #tpu.memory_space<hbm>> -> memref<2x10000xi32, #tpu.memory_space<hbm>>
      %dma_wait3A_25 = arith.constant 0 : i32
      %dma_wait3A_26 = tpu.memref_slice %arg3[%dma_wait3A_25, %mul3A_10] : memref<2x320000xi32, #tpu.memory_space<hbm>> -> memref<2x10000xi32, #tpu.memory_space<hbm>>
      tpu.wait_dma2 semaphore(%run_scoped3A : memref<!tpu.dma_semaphore, #tpu.memory_space<semaphore_mem>>) src(%dma_wait3A_26 : memref<2x10000xi32, #tpu.memory_space<hbm>>) dst(%arg8 : memref<2x10000xi32, #tpu.memory_space<vmem>>)
      tpu.yield
    }) : () -> ()
    %barrier3A = arith.constant 0 : index
    tpu.barrier barrier_id(%barrier3A)
    %scan3A = arith.constant 0 : i32
    %scan3A_11 = arith.constant 0 : i32
    %scan3A_12 = arith.constant 25 : i32
    %scan3A_13 = arith.addi %scan3A_11, %scan3A_12 : i32
    %scan3A_14 = arith.constant 1 : i32
    scf.for %scan3A_21 = %scan3A_11 to %scan3A_13 step %scan3A_14  : i32 {
      %mul3A_22 = arith.constant 5 : i32
      %mul3A_23 = arith.muli %scan3A_21, %mul3A_22 : i32
      %add3A_24 = arith.constant 0 : i32
      %add3A_25 = arith.addi %mul3A_23, %add3A_24 : i32
      %mul3A_26 = arith.constant 80 : i32
      %mul3A_27 = arith.muli %add3A_25, %mul3A_26 : i32
      %dma_start3A = arith.constant 0 : i32
      %dma_start3A_28 = arith.constant 0 : i32
      %dma_start3A_29 = arith.constant 0 : i32
      %dma_start3A_30 = arith.constant 0 : i32
      %dma_start3A_31 = tpu.memref_slice %arg9[%dma_start3A_28, %dma_start3A_29, %dma_start3A_30] : memref<5x80x8xf32, #tpu.memory_space<vmem>> -> memref<1x80x8xf32, #tpu.memory_space<vmem>>
      %dma_start3A_32 = tpu.memref_squeeze %dma_start3A_31 : memref<1x80x8xf32, #tpu.memory_space<vmem>> -> memref<80x8xf32, #tpu.memory_space<vmem>>
      %dma_start3A_33 = tpu.memref_slice %arg8[%dma_start3A, %mul3A_27] : memref<2x10000xi32, #tpu.memory_space<vmem>> -> memref<1x80xi32, #tpu.memory_space<vmem>>
      %dma_start3A_34 = tpu.memref_squeeze %dma_start3A_33 : memref<1x80xi32, #tpu.memory_space<vmem>> -> memref<80xi32, #tpu.memory_space<vmem>>
      %dma_start3A_35 = arith.constant 0 : i32
      %dma_start3A_36 = arith.constant 0 : i32
      %dma_start3A_37 = tpu.memref_slice %arg7[%dma_start3A_35, %dma_start3A_36] : memref<10112x8xf32, #tpu.memory_space<vmem_shared>> -> memref<10112x8xf32, #tpu.memory_space<vmem_shared>>
      tpu.enqueue_indirect_dma source(%dma_start3A_37 : memref<10112x8xf32, #tpu.memory_space<vmem_shared>>) target(%dma_start3A_32 : memref<80x8xf32, #tpu.memory_space<vmem>>) offsets(%dma_start3A_34 : memref<80xi32, #tpu.memory_space<vmem>>) semaphore(%arg11 : memref<!tpu.dma_semaphore, #tpu.memory_space<semaphore_mem>>)
      %add3A_38 = arith.constant 1 : i32
      %add3A_39 = arith.addi %mul3A_23, %add3A_38 : i32
      %mul3A_40 = arith.constant 80 : i32
      %mul3A_41 = arith.muli %add3A_39, %mul3A_40 : i32
      %dma_start3A_42 = arith.constant 0 : i32
      %dma_start3A_43 = arith.constant 1 : i32
      %dma_start3A_44 = arith.constant 0 : i32
      %dma_start3A_45 = arith.constant 0 : i32
      %dma_start3A_46 = tpu.memref_slice %arg9[%dma_start3A_43, %dma_start3A_44, %dma_start3A_45] : memref<5x80x8xf32, #tpu.memory_space<vmem>> -> memref<1x80x8xf32, #tpu.memory_space<vmem>>
      %dma_start3A_47 = tpu.memref_squeeze %dma_start3A_46 : memref<1x80x8xf32, #tpu.memory_space<vmem>> -> memref<80x8xf32, #tpu.memory_space<vmem>>
      %dma_start3A_48 = tpu.memref_slice %arg8[%dma_start3A_42, %mul3A_41] : memref<2x10000xi32, #tpu.memory_space<vmem>> -> memref<1x80xi32, #tpu.memory_space<vmem>>
      %dma_start3A_49 = tpu.memref_squeeze %dma_start3A_48 : memref<1x80xi32, #tpu.memory_space<vmem>> -> memref<80xi32, #tpu.memory_space<vmem>>
      %dma_start3A_50 = arith.constant 0 : i32
      %dma_start3A_51 = arith.constant 0 : i32
      %dma_start3A_52 = tpu.memref_slice %arg7[%dma_start3A_50, %dma_start3A_51] : memref<10112x8xf32, #tpu.memory_space<vmem_shared>> -> memref<10112x8xf32, #tpu.memory_space<vmem_shared>>
      tpu.enqueue_indirect_dma source(%dma_start3A_52 : memref<10112x8xf32, #tpu.memory_space<vmem_shared>>) target(%dma_start3A_47 : memref<80x8xf32, #tpu.memory_space<vmem>>) offsets(%dma_start3A_49 : memref<80xi32, #tpu.memory_space<vmem>>) semaphore(%arg11 : memref<!tpu.dma_semaphore, #tpu.memory_space<semaphore_mem>>)
      %add3A_53 = arith.constant 2 : i32
      %add3A_54 = arith.addi %mul3A_23, %add3A_53 : i32
      %mul3A_55 = arith.constant 80 : i32
      %mul3A_56 = arith.muli %add3A_54, %mul3A_55 : i32
      %dma_start3A_57 = arith.constant 0 : i32
      %dma_start3A_58 = arith.constant 2 : i32
      %dma_start3A_59 = arith.constant 0 : i32
      %dma_start3A_60 = arith.constant 0 : i32
      %dma_start3A_61 = tpu.memref_slice %arg9[%dma_start3A_58, %dma_start3A_59, %dma_start3A_60] : memref<5x80x8xf32, #tpu.memory_space<vmem>> -> memref<1x80x8xf32, #tpu.memory_space<vmem>>
      %dma_start3A_62 = tpu.memref_squeeze %dma_start3A_61 : memref<1x80x8xf32, #tpu.memory_space<vmem>> -> memref<80x8xf32, #tpu.memory_space<vmem>>
      %dma_start3A_63 = tpu.memref_slice %arg8[%dma_start3A_57, %mul3A_56] : memref<2x10000xi32, #tpu.memory_space<vmem>> -> memref<1x80xi32, #tpu.memory_space<vmem>>
      %dma_start3A_64 = tpu.memref_squeeze %dma_start3A_63 : memref<1x80xi32, #tpu.memory_space<vmem>> -> memref<80xi32, #tpu.memory_space<vmem>>
      %dma_start3A_65 = arith.constant 0 : i32
      %dma_start3A_66 = arith.constant 0 : i32
      %dma_start3A_67 = tpu.memref_slice %arg7[%dma_start3A_65, %dma_start3A_66] : memref<10112x8xf32, #tpu.memory_space<vmem_shared>> -> memref<10112x8xf32, #tpu.memory_space<vmem_shared>>
      tpu.enqueue_indirect_dma source(%dma_start3A_67 : memref<10112x8xf32, #tpu.memory_space<vmem_shared>>) target(%dma_start3A_62 : memref<80x8xf32, #tpu.memory_space<vmem>>) offsets(%dma_start3A_64 : memref<80xi32, #tpu.memory_space<vmem>>) semaphore(%arg11 : memref<!tpu.dma_semaphore, #tpu.memory_space<semaphore_mem>>)
      %add3A_68 = arith.constant 3 : i32
      %add3A_69 = arith.addi %mul3A_23, %add3A_68 : i32
      %mul3A_70 = arith.constant 80 : i32
      %mul3A_71 = arith.muli %add3A_69, %mul3A_70 : i32
      %dma_start3A_72 = arith.constant 0 : i32
      %dma_start3A_73 = arith.constant 3 : i32
      %dma_start3A_74 = arith.constant 0 : i32
      %dma_start3A_75 = arith.constant 0 : i32
      %dma_start3A_76 = tpu.memref_slice %arg9[%dma_start3A_73, %dma_start3A_74, %dma_start3A_75] : memref<5x80x8xf32, #tpu.memory_space<vmem>> -> memref<1x80x8xf32, #tpu.memory_space<vmem>>
      %dma_start3A_77 = tpu.memref_squeeze %dma_start3A_76 : memref<1x80x8xf32, #tpu.memory_space<vmem>> -> memref<80x8xf32, #tpu.memory_space<vmem>>
      %dma_start3A_78 = tpu.memref_slice %arg8[%dma_start3A_72, %mul3A_71] : memref<2x10000xi32, #tpu.memory_space<vmem>> -> memref<1x80xi32, #tpu.memory_space<vmem>>
      %dma_start3A_79 = tpu.memref_squeeze %dma_start3A_78 : memref<1x80xi32, #tpu.memory_space<vmem>> -> memref<80xi32, #tpu.memory_space<vmem>>
      %dma_start3A_80 = arith.constant 0 : i32
      %dma_start3A_81 = arith.constant 0 : i32
      %dma_start3A_82 = tpu.memref_slice %arg7[%dma_start3A_80, %dma_start3A_81] : memref<10112x8xf32, #tpu.memory_space<vmem_shared>> -> memref<10112x8xf32, #tpu.memory_space<vmem_shared>>
      tpu.enqueue_indirect_dma source(%dma_start3A_82 : memref<10112x8xf32, #tpu.memory_space<vmem_shared>>) target(%dma_start3A_77 : memref<80x8xf32, #tpu.memory_space<vmem>>) offsets(%dma_start3A_79 : memref<80xi32, #tpu.memory_space<vmem>>) semaphore(%arg11 : memref<!tpu.dma_semaphore, #tpu.memory_space<semaphore_mem>>)
      %add3A_83 = arith.constant 4 : i32
      %add3A_84 = arith.addi %mul3A_23, %add3A_83 : i32
      %mul3A_85 = arith.constant 80 : i32
      %mul3A_86 = arith.muli %add3A_84, %mul3A_85 : i32
      %dma_start3A_87 = arith.constant 0 : i32
      %dma_start3A_88 = arith.constant 4 : i32
      %dma_start3A_89 = arith.constant 0 : i32
      %dma_start3A_90 = arith.constant 0 : i32
      %dma_start3A_91 = tpu.memref_slice %arg9[%dma_start3A_88, %dma_start3A_89, %dma_start3A_90] : memref<5x80x8xf32, #tpu.memory_space<vmem>> -> memref<1x80x8xf32, #tpu.memory_space<vmem>>
      %dma_start3A_92 = tpu.memref_squeeze %dma_start3A_91 : memref<1x80x8xf32, #tpu.memory_space<vmem>> -> memref<80x8xf32, #tpu.memory_space<vmem>>
      %dma_start3A_93 = tpu.memref_slice %arg8[%dma_start3A_87, %mul3A_86] : memref<2x10000xi32, #tpu.memory_space<vmem>> -> memref<1x80xi32, #tpu.memory_space<vmem>>
      %dma_start3A_94 = tpu.memref_squeeze %dma_start3A_93 : memref<1x80xi32, #tpu.memory_space<vmem>> -> memref<80xi32, #tpu.memory_space<vmem>>
      %dma_start3A_95 = arith.constant 0 : i32
      %dma_start3A_96 = arith.constant 0 : i32
      %dma_start3A_97 = tpu.memref_slice %arg7[%dma_start3A_95, %dma_start3A_96] : memref<10112x8xf32, #tpu.memory_space<vmem_shared>> -> memref<10112x8xf32, #tpu.memory_space<vmem_shared>>
      tpu.enqueue_indirect_dma source(%dma_start3A_97 : memref<10112x8xf32, #tpu.memory_space<vmem_shared>>) target(%dma_start3A_92 : memref<80x8xf32, #tpu.memory_space<vmem>>) offsets(%dma_start3A_94 : memref<80xi32, #tpu.memory_space<vmem>>) semaphore(%arg11 : memref<!tpu.dma_semaphore, #tpu.memory_space<semaphore_mem>>)
      %dma_wait3A = arith.constant 0 : i32
      %dma_wait3A_98 = arith.constant 0 : i32
      %dma_wait3A_99 = arith.constant 0 : i32
      %dma_wait3A_100 = arith.constant 0 : i32
      %dma_wait3A_101 = tpu.memref_slice %arg9[%dma_wait3A_98, %dma_wait3A_99, %dma_wait3A_100] : memref<5x80x8xf32, #tpu.memory_space<vmem>> -> memref<1x80x8xf32, #tpu.memory_space<vmem>>
      %dma_wait3A_102 = tpu.memref_squeeze %dma_wait3A_101 : memref<1x80x8xf32, #tpu.memory_space<vmem>> -> memref<80x8xf32, #tpu.memory_space<vmem>>
      %dma_wait3A_103 = tpu.memref_slice %arg8[%dma_wait3A, %mul3A_27] : memref<2x10000xi32, #tpu.memory_space<vmem>> -> memref<1x80xi32, #tpu.memory_space<vmem>>
      %dma_wait3A_104 = tpu.memref_squeeze %dma_wait3A_103 : memref<1x80xi32, #tpu.memory_space<vmem>> -> memref<80xi32, #tpu.memory_space<vmem>>
      %dma_wait3A_105 = arith.constant 0 : i32
      %dma_wait3A_106 = arith.constant 0 : i32
      %dma_wait3A_107 = tpu.memref_slice %arg7[%dma_wait3A_105, %dma_wait3A_106] : memref<10112x8xf32, #tpu.memory_space<vmem_shared>> -> memref<10112x8xf32, #tpu.memory_space<vmem_shared>>
      tpu.wait_indirect_dma semaphore(%arg11 : memref<!tpu.dma_semaphore, #tpu.memory_space<semaphore_mem>>) src(%dma_wait3A_107 : memref<10112x8xf32, #tpu.memory_space<vmem_shared>>) dst(%dma_wait3A_102 : memref<80x8xf32, #tpu.memory_space<vmem>>)
      %add3A_108 = arith.constant 0 : i32
      %add3A_109 = arith.addi %mul3A_23, %add3A_108 : i32
      %mul3A_110 = arith.constant 80 : i32
      %mul3A_111 = arith.muli %add3A_109, %mul3A_110 : i32
      %dma_start3A_112 = arith.constant 0 : i32
      %dma_start3A_113 = arith.constant 1 : i32
      %dma_start3A_114 = arith.constant 0 : i32
      %dma_start3A_115 = arith.constant 0 : i32
      %dma_start3A_116 = tpu.memref_slice %arg9[%dma_start3A_112, %dma_start3A_114, %dma_start3A_115] : memref<5x80x8xf32, #tpu.memory_space<vmem>> -> memref<1x80x8xf32, #tpu.memory_space<vmem>>
      %dma_start3A_117 = tpu.memref_squeeze %dma_start3A_116 : memref<1x80x8xf32, #tpu.memory_space<vmem>> -> memref<80x8xf32, #tpu.memory_space<vmem>>
      %dma_start3A_118 = tpu.memref_slice %arg8[%dma_start3A_113, %mul3A_111] : memref<2x10000xi32, #tpu.memory_space<vmem>> -> memref<1x80xi32, #tpu.memory_space<vmem>>
      %dma_start3A_119 = tpu.memref_squeeze %dma_start3A_118 : memref<1x80xi32, #tpu.memory_space<vmem>> -> memref<80xi32, #tpu.memory_space<vmem>>
      %dma_start3A_120 = arith.constant 0 : i32
      %dma_start3A_121 = arith.constant 0 : i32
      %dma_start3A_122 = tpu.memref_slice %arg6[%dma_start3A_120, %dma_start3A_121] : memref<10112x8xf32, #tpu.memory_space<vmem_shared>> -> memref<10112x8xf32, #tpu.memory_space<vmem_shared>>
      tpu.enqueue_indirect_dma source(%dma_start3A_117 : memref<80x8xf32, #tpu.memory_space<vmem>>) target(%dma_start3A_122 : memref<10112x8xf32, #tpu.memory_space<vmem_shared>>) offsets(%dma_start3A_119 : memref<80xi32, #tpu.memory_space<vmem>>) semaphore(%arg12 : memref<!tpu.dma_semaphore, #tpu.memory_space<semaphore_mem>>) {add = true}
      %dma_wait3A_123 = arith.constant 0 : i32
      %dma_wait3A_124 = arith.constant 1 : i32
      %dma_wait3A_125 = arith.constant 0 : i32
      %dma_wait3A_126 = arith.constant 0 : i32
      %dma_wait3A_127 = tpu.memref_slice %arg9[%dma_wait3A_124, %dma_wait3A_125, %dma_wait3A_126] : memref<5x80x8xf32, #tpu.memory_space<vmem>> -> memref<1x80x8xf32, #tpu.memory_space<vmem>>
      %dma_wait3A_128 = tpu.memref_squeeze %dma_wait3A_127 : memref<1x80x8xf32, #tpu.memory_space<vmem>> -> memref<80x8xf32, #tpu.memory_space<vmem>>
      %dma_wait3A_129 = tpu.memref_slice %arg8[%dma_wait3A_123, %mul3A_41] : memref<2x10000xi32, #tpu.memory_space<vmem>> -> memref<1x80xi32, #tpu.memory_space<vmem>>
      %dma_wait3A_130 = tpu.memref_squeeze %dma_wait3A_129 : memref<1x80xi32, #tpu.memory_space<vmem>> -> memref<80xi32, #tpu.memory_space<vmem>>
      %dma_wait3A_131 = arith.constant 0 : i32
      %dma_wait3A_132 = arith.constant 0 : i32
      %dma_wait3A_133 = tpu.memref_slice %arg7[%dma_wait3A_131, %dma_wait3A_132] : memref<10112x8xf32, #tpu.memory_space<vmem_shared>> -> memref<10112x8xf32, #tpu.memory_space<vmem_shared>>
      tpu.wait_indirect_dma semaphore(%arg11 : memref<!tpu.dma_semaphore, #tpu.memory_space<semaphore_mem>>) src(%dma_wait3A_133 : memref<10112x8xf32, #tpu.memory_space<vmem_shared>>) dst(%dma_wait3A_128 : memref<80x8xf32, #tpu.memory_space<vmem>>)
      %add3A_134 = arith.constant 1 : i32
      %add3A_135 = arith.addi %mul3A_23, %add3A_134 : i32
      %mul3A_136 = arith.constant 80 : i32
      %mul3A_137 = arith.muli %add3A_135, %mul3A_136 : i32
      %dma_start3A_138 = arith.constant 1 : i32
      %dma_start3A_139 = arith.constant 1 : i32
      %dma_start3A_140 = arith.constant 0 : i32
      %dma_start3A_141 = arith.constant 0 : i32
      %dma_start3A_142 = tpu.memref_slice %arg9[%dma_start3A_138, %dma_start3A_140, %dma_start3A_141] : memref<5x80x8xf32, #tpu.memory_space<vmem>> -> memref<1x80x8xf32, #tpu.memory_space<vmem>>
      %dma_start3A_143 = tpu.memref_squeeze %dma_start3A_142 : memref<1x80x8xf32, #tpu.memory_space<vmem>> -> memref<80x8xf32, #tpu.memory_space<vmem>>
      %dma_start3A_144 = tpu.memref_slice %arg8[%dma_start3A_139, %mul3A_137] : memref<2x10000xi32, #tpu.memory_space<vmem>> -> memref<1x80xi32, #tpu.memory_space<vmem>>
      %dma_start3A_145 = tpu.memref_squeeze %dma_start3A_144 : memref<1x80xi32, #tpu.memory_space<vmem>> -> memref<80xi32, #tpu.memory_space<vmem>>
      %dma_start3A_146 = arith.constant 0 : i32
      %dma_start3A_147 = arith.constant 0 : i32
      %dma_start3A_148 = tpu.memref_slice %arg6[%dma_start3A_146, %dma_start3A_147] : memref<10112x8xf32, #tpu.memory_space<vmem_shared>> -> memref<10112x8xf32, #tpu.memory_space<vmem_shared>>
      tpu.enqueue_indirect_dma source(%dma_start3A_143 : memref<80x8xf32, #tpu.memory_space<vmem>>) target(%dma_start3A_148 : memref<10112x8xf32, #tpu.memory_space<vmem_shared>>) offsets(%dma_start3A_145 : memref<80xi32, #tpu.memory_space<vmem>>) semaphore(%arg12 : memref<!tpu.dma_semaphore, #tpu.memory_space<semaphore_mem>>) {add = true}
      %dma_wait3A_149 = arith.constant 0 : i32
      %dma_wait3A_150 = arith.constant 2 : i32
      %dma_wait3A_151 = arith.constant 0 : i32
      %dma_wait3A_152 = arith.constant 0 : i32
      %dma_wait3A_153 = tpu.memref_slice %arg9[%dma_wait3A_150, %dma_wait3A_151, %dma_wait3A_152] : memref<5x80x8xf32, #tpu.memory_space<vmem>> -> memref<1x80x8xf32, #tpu.memory_space<vmem>>
      %dma_wait3A_154 = tpu.memref_squeeze %dma_wait3A_153 : memref<1x80x8xf32, #tpu.memory_space<vmem>> -> memref<80x8xf32, #tpu.memory_space<vmem>>
      %dma_wait3A_155 = tpu.memref_slice %arg8[%dma_wait3A_149, %mul3A_56] : memref<2x10000xi32, #tpu.memory_space<vmem>> -> memref<1x80xi32, #tpu.memory_space<vmem>>
      %dma_wait3A_156 = tpu.memref_squeeze %dma_wait3A_155 : memref<1x80xi32, #tpu.memory_space<vmem>> -> memref<80xi32, #tpu.memory_space<vmem>>
      %dma_wait3A_157 = arith.constant 0 : i32
      %dma_wait3A_158 = arith.constant 0 : i32
      %dma_wait3A_159 = tpu.memref_slice %arg7[%dma_wait3A_157, %dma_wait3A_158] : memref<10112x8xf32, #tpu.memory_space<vmem_shared>> -> memref<10112x8xf32, #tpu.memory_space<vmem_shared>>
      tpu.wait_indirect_dma semaphore(%arg11 : memref<!tpu.dma_semaphore, #tpu.memory_space<semaphore_mem>>) src(%dma_wait3A_159 : memref<10112x8xf32, #tpu.memory_space<vmem_shared>>) dst(%dma_wait3A_154 : memref<80x8xf32, #tpu.memory_space<vmem>>)
      %add3A_160 = arith.constant 2 : i32
      %add3A_161 = arith.addi %mul3A_23, %add3A_160 : i32
      %mul3A_162 = arith.constant 80 : i32
      %mul3A_163 = arith.muli %add3A_161, %mul3A_162 : i32
      %dma_start3A_164 = arith.constant 2 : i32
      %dma_start3A_165 = arith.constant 1 : i32
      %dma_start3A_166 = arith.constant 0 : i32
      %dma_start3A_167 = arith.constant 0 : i32
      %dma_start3A_168 = tpu.memref_slice %arg9[%dma_start3A_164, %dma_start3A_166, %dma_start3A_167] : memref<5x80x8xf32, #tpu.memory_space<vmem>> -> memref<1x80x8xf32, #tpu.memory_space<vmem>>
      %dma_start3A_169 = tpu.memref_squeeze %dma_start3A_168 : memref<1x80x8xf32, #tpu.memory_space<vmem>> -> memref<80x8xf32, #tpu.memory_space<vmem>>
      %dma_start3A_170 = tpu.memref_slice %arg8[%dma_start3A_165, %mul3A_163] : memref<2x10000xi32, #tpu.memory_space<vmem>> -> memref<1x80xi32, #tpu.memory_space<vmem>>
      %dma_start3A_171 = tpu.memref_squeeze %dma_start3A_170 : memref<1x80xi32, #tpu.memory_space<vmem>> -> memref<80xi32, #tpu.memory_space<vmem>>
      %dma_start3A_172 = arith.constant 0 : i32
      %dma_start3A_173 = arith.constant 0 : i32
      %dma_start3A_174 = tpu.memref_slice %arg6[%dma_start3A_172, %dma_start3A_173] : memref<10112x8xf32, #tpu.memory_space<vmem_shared>> -> memref<10112x8xf32, #tpu.memory_space<vmem_shared>>
      tpu.enqueue_indirect_dma source(%dma_start3A_169 : memref<80x8xf32, #tpu.memory_space<vmem>>) target(%dma_start3A_174 : memref<10112x8xf32, #tpu.memory_space<vmem_shared>>) offsets(%dma_start3A_171 : memref<80xi32, #tpu.memory_space<vmem>>) semaphore(%arg12 : memref<!tpu.dma_semaphore, #tpu.memory_space<semaphore_mem>>) {add = true}
      %dma_wait3A_175 = arith.constant 0 : i32
      %dma_wait3A_176 = arith.constant 3 : i32
      %dma_wait3A_177 = arith.constant 0 : i32
      %dma_wait3A_178 = arith.constant 0 : i32
      %dma_wait3A_179 = tpu.memref_slice %arg9[%dma_wait3A_176, %dma_wait3A_177, %dma_wait3A_178] : memref<5x80x8xf32, #tpu.memory_space<vmem>> -> memref<1x80x8xf32, #tpu.memory_space<vmem>>
      %dma_wait3A_180 = tpu.memref_squeeze %dma_wait3A_179 : memref<1x80x8xf32, #tpu.memory_space<vmem>> -> memref<80x8xf32, #tpu.memory_space<vmem>>
      %dma_wait3A_181 = tpu.memref_slice %arg8[%dma_wait3A_175, %mul3A_71] : memref<2x10000xi32, #tpu.memory_space<vmem>> -> memref<1x80xi32, #tpu.memory_space<vmem>>
      %dma_wait3A_182 = tpu.memref_squeeze %dma_wait3A_181 : memref<1x80xi32, #tpu.memory_space<vmem>> -> memref<80xi32, #tpu.memory_space<vmem>>
      %dma_wait3A_183 = arith.constant 0 : i32
      %dma_wait3A_184 = arith.constant 0 : i32
      %dma_wait3A_185 = tpu.memref_slice %arg7[%dma_wait3A_183, %dma_wait3A_184] : memref<10112x8xf32, #tpu.memory_space<vmem_shared>> -> memref<10112x8xf32, #tpu.memory_space<vmem_shared>>
      tpu.wait_indirect_dma semaphore(%arg11 : memref<!tpu.dma_semaphore, #tpu.memory_space<semaphore_mem>>) src(%dma_wait3A_185 : memref<10112x8xf32, #tpu.memory_space<vmem_shared>>) dst(%dma_wait3A_180 : memref<80x8xf32, #tpu.memory_space<vmem>>)
      %add3A_186 = arith.constant 3 : i32
      %add3A_187 = arith.addi %mul3A_23, %add3A_186 : i32
      %mul3A_188 = arith.constant 80 : i32
      %mul3A_189 = arith.muli %add3A_187, %mul3A_188 : i32
      %dma_start3A_190 = arith.constant 3 : i32
      %dma_start3A_191 = arith.constant 1 : i32
      %dma_start3A_192 = arith.constant 0 : i32
      %dma_start3A_193 = arith.constant 0 : i32
      %dma_start3A_194 = tpu.memref_slice %arg9[%dma_start3A_190, %dma_start3A_192, %dma_start3A_193] : memref<5x80x8xf32, #tpu.memory_space<vmem>> -> memref<1x80x8xf32, #tpu.memory_space<vmem>>
      %dma_start3A_195 = tpu.memref_squeeze %dma_start3A_194 : memref<1x80x8xf32, #tpu.memory_space<vmem>> -> memref<80x8xf32, #tpu.memory_space<vmem>>
      %dma_start3A_196 = tpu.memref_slice %arg8[%dma_start3A_191, %mul3A_189] : memref<2x10000xi32, #tpu.memory_space<vmem>> -> memref<1x80xi32, #tpu.memory_space<vmem>>
      %dma_start3A_197 = tpu.memref_squeeze %dma_start3A_196 : memref<1x80xi32, #tpu.memory_space<vmem>> -> memref<80xi32, #tpu.memory_space<vmem>>
      %dma_start3A_198 = arith.constant 0 : i32
      %dma_start3A_199 = arith.constant 0 : i32
      %dma_start3A_200 = tpu.memref_slice %arg6[%dma_start3A_198, %dma_start3A_199] : memref<10112x8xf32, #tpu.memory_space<vmem_shared>> -> memref<10112x8xf32, #tpu.memory_space<vmem_shared>>
      tpu.enqueue_indirect_dma source(%dma_start3A_195 : memref<80x8xf32, #tpu.memory_space<vmem>>) target(%dma_start3A_200 : memref<10112x8xf32, #tpu.memory_space<vmem_shared>>) offsets(%dma_start3A_197 : memref<80xi32, #tpu.memory_space<vmem>>) semaphore(%arg12 : memref<!tpu.dma_semaphore, #tpu.memory_space<semaphore_mem>>) {add = true}
      %dma_wait3A_201 = arith.constant 0 : i32
      %dma_wait3A_202 = arith.constant 4 : i32
      %dma_wait3A_203 = arith.constant 0 : i32
      %dma_wait3A_204 = arith.constant 0 : i32
      %dma_wait3A_205 = tpu.memref_slice %arg9[%dma_wait3A_202, %dma_wait3A_203, %dma_wait3A_204] : memref<5x80x8xf32, #tpu.memory_space<vmem>> -> memref<1x80x8xf32, #tpu.memory_space<vmem>>
      %dma_wait3A_206 = tpu.memref_squeeze %dma_wait3A_205 : memref<1x80x8xf32, #tpu.memory_space<vmem>> -> memref<80x8xf32, #tpu.memory_space<vmem>>
      %dma_wait3A_207 = tpu.memref_slice %arg8[%dma_wait3A_201, %mul3A_86] : memref<2x10000xi32, #tpu.memory_space<vmem>> -> memref<1x80xi32, #tpu.memory_space<vmem>>
      %dma_wait3A_208 = tpu.memref_squeeze %dma_wait3A_207 : memref<1x80xi32, #tpu.memory_space<vmem>> -> memref<80xi32, #tpu.memory_space<vmem>>
      %dma_wait3A_209 = arith.constant 0 : i32
      %dma_wait3A_210 = arith.constant 0 : i32
      %dma_wait3A_211 = tpu.memref_slice %arg7[%dma_wait3A_209, %dma_wait3A_210] : memref<10112x8xf32, #tpu.memory_space<vmem_shared>> -> memref<10112x8xf32, #tpu.memory_space<vmem_shared>>
      tpu.wait_indirect_dma semaphore(%arg11 : memref<!tpu.dma_semaphore, #tpu.memory_space<semaphore_mem>>) src(%dma_wait3A_211 : memref<10112x8xf32, #tpu.memory_space<vmem_shared>>) dst(%dma_wait3A_206 : memref<80x8xf32, #tpu.memory_space<vmem>>)
      %add3A_212 = arith.constant 4 : i32
      %add3A_213 = arith.addi %mul3A_23, %add3A_212 : i32
      %mul3A_214 = arith.constant 80 : i32
      %mul3A_215 = arith.muli %add3A_213, %mul3A_214 : i32
      %dma_start3A_216 = arith.constant 4 : i32
      %dma_start3A_217 = arith.constant 1 : i32
      %dma_start3A_218 = arith.constant 0 : i32
      %dma_start3A_219 = arith.constant 0 : i32
      %dma_start3A_220 = tpu.memref_slice %arg9[%dma_start3A_216, %dma_start3A_218, %dma_start3A_219] : memref<5x80x8xf32, #tpu.memory_space<vmem>> -> memref<1x80x8xf32, #tpu.memory_space<vmem>>
      %dma_start3A_221 = tpu.memref_squeeze %dma_start3A_220 : memref<1x80x8xf32, #tpu.memory_space<vmem>> -> memref<80x8xf32, #tpu.memory_space<vmem>>
      %dma_start3A_222 = tpu.memref_slice %arg8[%dma_start3A_217, %mul3A_215] : memref<2x10000xi32, #tpu.memory_space<vmem>> -> memref<1x80xi32, #tpu.memory_space<vmem>>
      %dma_start3A_223 = tpu.memref_squeeze %dma_start3A_222 : memref<1x80xi32, #tpu.memory_space<vmem>> -> memref<80xi32, #tpu.memory_space<vmem>>
      %dma_start3A_224 = arith.constant 0 : i32
      %dma_start3A_225 = arith.constant 0 : i32
      %dma_start3A_226 = tpu.memref_slice %arg6[%dma_start3A_224, %dma_start3A_225] : memref<10112x8xf32, #tpu.memory_space<vmem_shared>> -> memref<10112x8xf32, #tpu.memory_space<vmem_shared>>
      tpu.enqueue_indirect_dma source(%dma_start3A_221 : memref<80x8xf32, #tpu.memory_space<vmem>>) target(%dma_start3A_226 : memref<10112x8xf32, #tpu.memory_space<vmem_shared>>) offsets(%dma_start3A_223 : memref<80xi32, #tpu.memory_space<vmem>>) semaphore(%arg12 : memref<!tpu.dma_semaphore, #tpu.memory_space<semaphore_mem>>) {add = true}
      %dma_wait3A_227 = arith.constant 0 : i32
      %dma_wait3A_228 = arith.constant 1 : i32
      %dma_wait3A_229 = arith.constant 0 : i32
      %dma_wait3A_230 = arith.constant 0 : i32
      %dma_wait3A_231 = tpu.memref_slice %arg9[%dma_wait3A_227, %dma_wait3A_229, %dma_wait3A_230] : memref<5x80x8xf32, #tpu.memory_space<vmem>> -> memref<1x80x8xf32, #tpu.memory_space<vmem>>
      %dma_wait3A_232 = tpu.memref_squeeze %dma_wait3A_231 : memref<1x80x8xf32, #tpu.memory_space<vmem>> -> memref<80x8xf32, #tpu.memory_space<vmem>>
      %dma_wait3A_233 = tpu.memref_slice %arg8[%dma_wait3A_228, %mul3A_111] : memref<2x10000xi32, #tpu.memory_space<vmem>> -> memref<1x80xi32, #tpu.memory_space<vmem>>
      %dma_wait3A_234 = tpu.memref_squeeze %dma_wait3A_233 : memref<1x80xi32, #tpu.memory_space<vmem>> -> memref<80xi32, #tpu.memory_space<vmem>>
      %dma_wait3A_235 = arith.constant 0 : i32
      %dma_wait3A_236 = arith.constant 0 : i32
      %dma_wait3A_237 = tpu.memref_slice %arg6[%dma_wait3A_235, %dma_wait3A_236] : memref<10112x8xf32, #tpu.memory_space<vmem_shared>> -> memref<10112x8xf32, #tpu.memory_space<vmem_shared>>
      tpu.wait_indirect_dma semaphore(%arg12 : memref<!tpu.dma_semaphore, #tpu.memory_space<semaphore_mem>>) src(%dma_wait3A_232 : memref<80x8xf32, #tpu.memory_space<vmem>>) dst(%dma_wait3A_237 : memref<10112x8xf32, #tpu.memory_space<vmem_shared>>)
      %dma_wait3A_238 = arith.constant 1 : i32
      %dma_wait3A_239 = arith.constant 1 : i32
      %dma_wait3A_240 = arith.constant 0 : i32
      %dma_wait3A_241 = arith.constant 0 : i32
      %dma_wait3A_242 = tpu.memref_slice %arg9[%dma_wait3A_238, %dma_wait3A_240, %dma_wait3A_241] : memref<5x80x8xf32, #tpu.memory_space<vmem>> -> memref<1x80x8xf32, #tpu.memory_space<vmem>>
      %dma_wait3A_243 = tpu.memref_squeeze %dma_wait3A_242 : memref<1x80x8xf32, #tpu.memory_space<vmem>> -> memref<80x8xf32, #tpu.memory_space<vmem>>
      %dma_wait3A_244 = tpu.memref_slice %arg8[%dma_wait3A_239, %mul3A_137] : memref<2x10000xi32, #tpu.memory_space<vmem>> -> memref<1x80xi32, #tpu.memory_space<vmem>>
      %dma_wait3A_245 = tpu.memref_squeeze %dma_wait3A_244 : memref<1x80xi32, #tpu.memory_space<vmem>> -> memref<80xi32, #tpu.memory_space<vmem>>
      %dma_wait3A_246 = arith.constant 0 : i32
      %dma_wait3A_247 = arith.constant 0 : i32
      %dma_wait3A_248 = tpu.memref_slice %arg6[%dma_wait3A_246, %dma_wait3A_247] : memref<10112x8xf32, #tpu.memory_space<vmem_shared>> -> memref<10112x8xf32, #tpu.memory_space<vmem_shared>>
      tpu.wait_indirect_dma semaphore(%arg12 : memref<!tpu.dma_semaphore, #tpu.memory_space<semaphore_mem>>) src(%dma_wait3A_243 : memref<80x8xf32, #tpu.memory_space<vmem>>) dst(%dma_wait3A_248 : memref<10112x8xf32, #tpu.memory_space<vmem_shared>>)
      %dma_wait3A_249 = arith.constant 2 : i32
      %dma_wait3A_250 = arith.constant 1 : i32
      %dma_wait3A_251 = arith.constant 0 : i32
      %dma_wait3A_252 = arith.constant 0 : i32
      %dma_wait3A_253 = tpu.memref_slice %arg9[%dma_wait3A_249, %dma_wait3A_251, %dma_wait3A_252] : memref<5x80x8xf32, #tpu.memory_space<vmem>> -> memref<1x80x8xf32, #tpu.memory_space<vmem>>
      %dma_wait3A_254 = tpu.memref_squeeze %dma_wait3A_253 : memref<1x80x8xf32, #tpu.memory_space<vmem>> -> memref<80x8xf32, #tpu.memory_space<vmem>>
      %dma_wait3A_255 = tpu.memref_slice %arg8[%dma_wait3A_250, %mul3A_163] : memref<2x10000xi32, #tpu.memory_space<vmem>> -> memref<1x80xi32, #tpu.memory_space<vmem>>
      %dma_wait3A_256 = tpu.memref_squeeze %dma_wait3A_255 : memref<1x80xi32, #tpu.memory_space<vmem>> -> memref<80xi32, #tpu.memory_space<vmem>>
      %dma_wait3A_257 = arith.constant 0 : i32
      %dma_wait3A_258 = arith.constant 0 : i32
      %dma_wait3A_259 = tpu.memref_slice %arg6[%dma_wait3A_257, %dma_wait3A_258] : memref<10112x8xf32, #tpu.memory_space<vmem_shared>> -> memref<10112x8xf32, #tpu.memory_space<vmem_shared>>
      tpu.wait_indirect_dma semaphore(%arg12 : memref<!tpu.dma_semaphore, #tpu.memory_space<semaphore_mem>>) src(%dma_wait3A_254 : memref<80x8xf32, #tpu.memory_space<vmem>>) dst(%dma_wait3A_259 : memref<10112x8xf32, #tpu.memory_space<vmem_shared>>)
      %dma_wait3A_260 = arith.constant 3 : i32
      %dma_wait3A_261 = arith.constant 1 : i32
      %dma_wait3A_262 = arith.constant 0 : i32
      %dma_wait3A_263 = arith.constant 0 : i32
      %dma_wait3A_264 = tpu.memref_slice %arg9[%dma_wait3A_260, %dma_wait3A_262, %dma_wait3A_263] : memref<5x80x8xf32, #tpu.memory_space<vmem>> -> memref<1x80x8xf32, #tpu.memory_space<vmem>>
      %dma_wait3A_265 = tpu.memref_squeeze %dma_wait3A_264 : memref<1x80x8xf32, #tpu.memory_space<vmem>> -> memref<80x8xf32, #tpu.memory_space<vmem>>
      %dma_wait3A_266 = tpu.memref_slice %arg8[%dma_wait3A_261, %mul3A_189] : memref<2x10000xi32, #tpu.memory_space<vmem>> -> memref<1x80xi32, #tpu.memory_space<vmem>>
      %dma_wait3A_267 = tpu.memref_squeeze %dma_wait3A_266 : memref<1x80xi32, #tpu.memory_space<vmem>> -> memref<80xi32, #tpu.memory_space<vmem>>
      %dma_wait3A_268 = arith.constant 0 : i32
      %dma_wait3A_269 = arith.constant 0 : i32
      %dma_wait3A_270 = tpu.memref_slice %arg6[%dma_wait3A_268, %dma_wait3A_269] : memref<10112x8xf32, #tpu.memory_space<vmem_shared>> -> memref<10112x8xf32, #tpu.memory_space<vmem_shared>>
      tpu.wait_indirect_dma semaphore(%arg12 : memref<!tpu.dma_semaphore, #tpu.memory_space<semaphore_mem>>) src(%dma_wait3A_265 : memref<80x8xf32, #tpu.memory_space<vmem>>) dst(%dma_wait3A_270 : memref<10112x8xf32, #tpu.memory_space<vmem_shared>>)
      %dma_wait3A_271 = arith.constant 4 : i32
      %dma_wait3A_272 = arith.constant 1 : i32
      %dma_wait3A_273 = arith.constant 0 : i32
      %dma_wait3A_274 = arith.constant 0 : i32
      %dma_wait3A_275 = tpu.memref_slice %arg9[%dma_wait3A_271, %dma_wait3A_273, %dma_wait3A_274] : memref<5x80x8xf32, #tpu.memory_space<vmem>> -> memref<1x80x8xf32, #tpu.memory_space<vmem>>
      %dma_wait3A_276 = tpu.memref_squeeze %dma_wait3A_275 : memref<1x80x8xf32, #tpu.memory_space<vmem>> -> memref<80x8xf32, #tpu.memory_space<vmem>>
      %dma_wait3A_277 = tpu.memref_slice %arg8[%dma_wait3A_272, %mul3A_215] : memref<2x10000xi32, #tpu.memory_space<vmem>> -> memref<1x80xi32, #tpu.memory_space<vmem>>
      %dma_wait3A_278 = tpu.memref_squeeze %dma_wait3A_277 : memref<1x80xi32, #tpu.memory_space<vmem>> -> memref<80xi32, #tpu.memory_space<vmem>>
      %dma_wait3A_279 = arith.constant 0 : i32
      %dma_wait3A_280 = arith.constant 0 : i32
      %dma_wait3A_281 = tpu.memref_slice %arg6[%dma_wait3A_279, %dma_wait3A_280] : memref<10112x8xf32, #tpu.memory_space<vmem_shared>> -> memref<10112x8xf32, #tpu.memory_space<vmem_shared>>
      tpu.wait_indirect_dma semaphore(%arg12 : memref<!tpu.dma_semaphore, #tpu.memory_space<semaphore_mem>>) src(%dma_wait3A_276 : memref<80x8xf32, #tpu.memory_space<vmem>>) dst(%dma_wait3A_281 : memref<10112x8xf32, #tpu.memory_space<vmem_shared>>)
    }
    %scan3A_15 = arith.constant 25 : i32
    %barrier3A_16 = arith.constant 0 : index
    tpu.barrier barrier_id(%barrier3A_16)
    %mul3A_17 = arith.constant 632 : i32
    %mul3A_18 = arith.muli %arg1, %mul3A_17 : i32
    "tpu.region"() ({
      %run_scoped3A = tpu.sem_alloc : memref<!tpu.dma_semaphore, #tpu.memory_space<semaphore_mem>>
      %dma_start3A = arith.constant 0 : i32
      %dma_start3A_21 = tpu.memref_slice %arg6[%mul3A_18, %dma_start3A] : memref<10112x8xf32, #tpu.memory_space<vmem_shared>> -> memref<632x8xf32, #tpu.memory_space<vmem_shared>>
      %dma_start3A_22 = arith.constant 0 : i32
      %dma_start3A_23 = tpu.memref_slice %arg6[%mul3A_18, %dma_start3A_22] : memref<10112x8xf32, #tpu.memory_space<vmem_shared>> -> memref<632x8xf32, #tpu.memory_space<vmem_shared>>
      tpu.enqueue_dma source(%dma_start3A_23 : memref<632x8xf32, #tpu.memory_space<vmem_shared>>) target(%arg10 : memref<632x8xf32, #tpu.memory_space<vmem>>) target_semaphore(%run_scoped3A : memref<!tpu.dma_semaphore, #tpu.memory_space<semaphore_mem>>)
      %dma_wait3A = arith.constant 0 : i32
      %dma_wait3A_24 = tpu.memref_slice %arg6[%mul3A_18, %dma_wait3A] : memref<10112x8xf32, #tpu.memory_space<vmem_shared>> -> memref<632x8xf32, #tpu.memory_space<vmem_shared>>
      %dma_wait3A_25 = arith.constant 0 : i32
      %dma_wait3A_26 = tpu.memref_slice %arg6[%mul3A_18, %dma_wait3A_25] : memref<10112x8xf32, #tpu.memory_space<vmem_shared>> -> memref<632x8xf32, #tpu.memory_space<vmem_shared>>
      tpu.wait_dma2 semaphore(%run_scoped3A : memref<!tpu.dma_semaphore, #tpu.memory_space<semaphore_mem>>) src(%dma_wait3A_26 : memref<632x8xf32, #tpu.memory_space<vmem_shared>>) dst(%arg10 : memref<632x8xf32, #tpu.memory_space<vmem>>)
      tpu.yield
    }) : () -> ()
    %mul3A_19 = arith.constant 632 : i32
    %mul3A_20 = arith.muli %arg1, %mul3A_19 : i32
    "tpu.region"() ({
      %run_scoped3A = tpu.sem_alloc : memref<!tpu.dma_semaphore, #tpu.memory_space<semaphore_mem>>
      %dma_start3A = arith.constant 0 : i32
      %dma_start3A_21 = tpu.memref_slice %arg5[%arg0, %mul3A_20, %dma_start3A] : memref<2x10112x8xf32, #tpu.memory_space<hbm>> -> memref<1x632x8xf32, #tpu.memory_space<hbm>>
      %dma_start3A_22 = tpu.memref_squeeze %dma_start3A_21 : memref<1x632x8xf32, #tpu.memory_space<hbm>> -> memref<632x8xf32, #tpu.memory_space<hbm>>
      %dma_start3A_23 = arith.constant 0 : i32
      %dma_start3A_24 = tpu.memref_slice %arg5[%arg0, %mul3A_20, %dma_start3A_23] : memref<2x10112x8xf32, #tpu.memory_space<hbm>> -> memref<1x632x8xf32, #tpu.memory_space<hbm>>
      %dma_start3A_25 = tpu.memref_squeeze %dma_start3A_24 : memref<1x632x8xf32, #tpu.memory_space<hbm>> -> memref<632x8xf32, #tpu.memory_space<hbm>>
      tpu.enqueue_dma source(%arg10 : memref<632x8xf32, #tpu.memory_space<vmem>>) target(%dma_start3A_25 : memref<632x8xf32, #tpu.memory_space<hbm>>) target_semaphore(%run_scoped3A : memref<!tpu.dma_semaphore, #tpu.memory_space<semaphore_mem>>)
      %dma_wait3A = arith.constant 0 : i32
      %dma_wait3A_26 = tpu.memref_slice %arg5[%arg0, %mul3A_20, %dma_wait3A] : memref<2x10112x8xf32, #tpu.memory_space<hbm>> -> memref<1x632x8xf32, #tpu.memory_space<hbm>>
      %dma_wait3A_27 = tpu.memref_squeeze %dma_wait3A_26 : memref<1x632x8xf32, #tpu.memory_space<hbm>> -> memref<632x8xf32, #tpu.memory_space<hbm>>
      %dma_wait3A_28 = arith.constant 0 : i32
      %dma_wait3A_29 = tpu.memref_slice %arg5[%arg0, %mul3A_20, %dma_wait3A_28] : memref<2x10112x8xf32, #tpu.memory_space<hbm>> -> memref<1x632x8xf32, #tpu.memory_space<hbm>>
      %dma_wait3A_30 = tpu.memref_squeeze %dma_wait3A_29 : memref<1x632x8xf32, #tpu.memory_space<hbm>> -> memref<632x8xf32, #tpu.memory_space<hbm>>
      tpu.wait_dma2 semaphore(%run_scoped3A : memref<!tpu.dma_semaphore, #tpu.memory_space<semaphore_mem>>) src(%arg10 : memref<632x8xf32, #tpu.memory_space<vmem>>) dst(%dma_wait3A_30 : memref<632x8xf32, #tpu.memory_space<hbm>>)
      tpu.yield
    }) : () -> ()
    return
  }
}

#map = affine_map<(d0, d1) -> (0, 0)>
#map1 = affine_map<(d0, d1) -> (0, 0, 0)>
module attributes {stable_mosaic.version = 14 : i64} {
  func.func @k(%arg0: i32, %arg1: i32, %arg2: memref<10112x8xf32, #tpu.memory_space<hbm>>, %arg3: memref<2x320000xi32, #tpu.memory_space<hbm>>, %arg4: memref<632x8xf32, #tpu.memory_space<hbm>>, %arg5: memref<2x10112x8xf32, #tpu.memory_space<hbm>>, %arg6: memref<10112x8xf32, #tpu.memory_space<vmem_shared>>, %arg7: memref<10112x8xf32, #tpu.memory_space<vmem_shared>>, %arg8: memref<2x10000xi32, #tpu.memory_space<vmem>>, %arg9: memref<5x80x8xf32, #tpu.memory_space<vmem>>, %arg10: memref<632x8xf32, #tpu.memory_space<vmem>>, %arg11: memref<!tpu.dma_semaphore, #tpu.memory_space<semaphore_mem>>, %arg12: memref<!tpu.dma_semaphore, #tpu.memory_space<semaphore_mem>>) attributes {dimension_semantics = [#tpu.dimension_semantics<core_parallel>, #tpu.dimension_semantics<subcore_parallel>], iteration_bounds = array<i64: 2, 16>, scalar_prefetch = 0 : i64, scratch_operands = 7 : i64, tpu.core_type = #tpu.core_type<sc_vector_subcore>, window_params = [{transform_indices = #map}, {transform_indices = #map}, {transform_indices = #map}, {transform_indices = #map1}]} {
    %mul3A = arith.constant 2 : i32
    %mul3A_0 = arith.muli %arg1, %mul3A : i32
    %add3A = arith.addi %mul3A_0, %arg0 : i32
    "tpu.region"() ({
      %run_scoped3A = tpu.sem_alloc : memref<!tpu.dma_semaphore, #tpu.memory_space<semaphore_mem>>
      tpu.enqueue_dma source(%arg4 : memref<632x8xf32, #tpu.memory_space<hbm>>) target(%arg10 : memref<632x8xf32, #tpu.memory_space<vmem>>) target_semaphore(%run_scoped3A : memref<!tpu.dma_semaphore, #tpu.memory_space<semaphore_mem>>)
      tpu.wait_dma2 semaphore(%run_scoped3A : memref<!tpu.dma_semaphore, #tpu.memory_space<semaphore_mem>>) src(%arg4 : memref<632x8xf32, #tpu.memory_space<hbm>>) dst(%arg10 : memref<632x8xf32, #tpu.memory_space<vmem>>)
      tpu.yield
    }) : () -> ()
    %mul3A_1 = arith.constant 632 : i32
    %mul3A_2 = arith.muli %arg1, %mul3A_1 : i32
    "tpu.region"() ({
      %run_scoped3A = tpu.sem_alloc : memref<!tpu.dma_semaphore, #tpu.memory_space<semaphore_mem>>
      %dma_start3A = arith.constant 0 : i32
      %dma_start3A_21 = tpu.memref_slice %arg6[%mul3A_2, %dma_start3A] : memref<10112x8xf32, #tpu.memory_space<vmem_shared>> -> memref<632x8xf32, #tpu.memory_space<vmem_shared>>
      %dma_start3A_22 = arith.constant 0 : i32
      %dma_start3A_23 = tpu.memref_slice %arg6[%mul3A_2, %dma_start3A_22] : memref<10112x8xf32, #tpu.memory_space<vmem_shared>> -> memref<632x8xf32, #tpu.memory_space<vmem_shared>>
      tpu.enqueue_dma source(%arg10 : memref<632x8xf32, #tpu.memory_space<vmem>>) target(%dma_start3A_23 : memref<632x8xf32, #tpu.memory_space<vmem_shared>>) target_semaphore(%run_scoped3A : memref<!tpu.dma_semaphore, #tpu.memory_space<semaphore_mem>>)
      %dma_wait3A = arith.constant 0 : i32
      %dma_wait3A_24 = tpu.memref_slice %arg6[%mul3A_2, %dma_wait3A] : memref<10112x8xf32, #tpu.memory_space<vmem_shared>> -> memref<632x8xf32, #tpu.memory_space<vmem_shared>>
      %dma_wait3A_25 = arith.constant 0 : i32
      %dma_wait3A_26 = tpu.memref_slice %arg6[%mul3A_2, %dma_wait3A_25] : memref<10112x8xf32, #tpu.memory_space<vmem_shared>> -> memref<632x8xf32, #tpu.memory_space<vmem_shared>>
      tpu.wait_dma2 semaphore(%run_scoped3A : memref<!tpu.dma_semaphore, #tpu.memory_space<semaphore_mem>>) src(%arg10 : memref<632x8xf32, #tpu.memory_space<vmem>>) dst(%dma_wait3A_26 : memref<632x8xf32, #tpu.memory_space<vmem_shared>>)
      tpu.yield
    }) : () -> ()
    %mul3A_3 = arith.constant 632 : i32
    %mul3A_4 = arith.muli %arg1, %mul3A_3 : i32
    "tpu.region"() ({
      %run_scoped3A = tpu.sem_alloc : memref<!tpu.dma_semaphore, #tpu.memory_space<semaphore_mem>>
      %dma_start3A = arith.constant 0 : i32
      %dma_start3A_21 = tpu.memref_slice %arg2[%mul3A_4, %dma_start3A] : memref<10112x8xf32, #tpu.memory_space<hbm>> -> memref<632x8xf32, #tpu.memory_space<hbm>>
      %dma_start3A_22 = arith.constant 0 : i32
      %dma_start3A_23 = tpu.memref_slice %arg2[%mul3A_4, %dma_start3A_22] : memref<10112x8xf32, #tpu.memory_space<hbm>> -> memref<632x8xf32, #tpu.memory_space<hbm>>
      tpu.enqueue_dma source(%dma_start3A_23 : memref<632x8xf32, #tpu.memory_space<hbm>>) target(%arg10 : memref<632x8xf32, #tpu.memory_space<vmem>>) target_semaphore(%run_scoped3A : memref<!tpu.dma_semaphore, #tpu.memory_space<semaphore_mem>>)
      %dma_wait3A = arith.constant 0 : i32
      %dma_wait3A_24 = tpu.memref_slice %arg2[%mul3A_4, %dma_wait3A] : memref<10112x8xf32, #tpu.memory_space<hbm>> -> memref<632x8xf32, #tpu.memory_space<hbm>>
      %dma_wait3A_25 = arith.constant 0 : i32
      %dma_wait3A_26 = tpu.memref_slice %arg2[%mul3A_4, %dma_wait3A_25] : memref<10112x8xf32, #tpu.memory_space<hbm>> -> memref<632x8xf32, #tpu.memory_space<hbm>>
      tpu.wait_dma2 semaphore(%run_scoped3A : memref<!tpu.dma_semaphore, #tpu.memory_space<semaphore_mem>>) src(%dma_wait3A_26 : memref<632x8xf32, #tpu.memory_space<hbm>>) dst(%arg10 : memref<632x8xf32, #tpu.memory_space<vmem>>)
      tpu.yield
    }) : () -> ()
    %mul3A_5 = arith.constant 632 : i32
    %mul3A_6 = arith.muli %arg1, %mul3A_5 : i32
    "tpu.region"() ({
      %run_scoped3A = tpu.sem_alloc : memref<!tpu.dma_semaphore, #tpu.memory_space<semaphore_mem>>
      %dma_start3A = arith.constant 0 : i32
      %dma_start3A_21 = tpu.memref_slice %arg7[%mul3A_6, %dma_start3A] : memref<10112x8xf32, #tpu.memory_space<vmem_shared>> -> memref<632x8xf32, #tpu.memory_space<vmem_shared>>
      %dma_start3A_22 = arith.constant 0 : i32
      %dma_start3A_23 = tpu.memref_slice %arg7[%mul3A_6, %dma_start3A_22] : memref<10112x8xf32, #tpu.memory_space<vmem_shared>> -> memref<632x8xf32, #tpu.memory_space<vmem_shared>>
      tpu.enqueue_dma source(%arg10 : memref<632x8xf32, #tpu.memory_space<vmem>>) target(%dma_start3A_23 : memref<632x8xf32, #tpu.memory_space<vmem_shared>>) target_semaphore(%run_scoped3A : memref<!tpu.dma_semaphore, #tpu.memory_space<semaphore_mem>>)
      %dma_wait3A = arith.constant 0 : i32
      %dma_wait3A_24 = tpu.memref_slice %arg7[%mul3A_6, %dma_wait3A] : memref<10112x8xf32, #tpu.memory_space<vmem_shared>> -> memref<632x8xf32, #tpu.memory_space<vmem_shared>>
      %dma_wait3A_25 = arith.constant 0 : i32
      %dma_wait3A_26 = tpu.memref_slice %arg7[%mul3A_6, %dma_wait3A_25] : memref<10112x8xf32, #tpu.memory_space<vmem_shared>> -> memref<632x8xf32, #tpu.memory_space<vmem_shared>>
      tpu.wait_dma2 semaphore(%run_scoped3A : memref<!tpu.dma_semaphore, #tpu.memory_space<semaphore_mem>>) src(%arg10 : memref<632x8xf32, #tpu.memory_space<vmem>>) dst(%dma_wait3A_26 : memref<632x8xf32, #tpu.memory_space<vmem_shared>>)
      tpu.yield
    }) : () -> ()
    %mul3A_7 = arith.constant 125 : i32
    %mul3A_8 = arith.muli %add3A, %mul3A_7 : i32
    %mul3A_9 = arith.constant 80 : i32
    %mul3A_10 = arith.muli %mul3A_8, %mul3A_9 : i32
    "tpu.region"() ({
      %run_scoped3A = tpu.sem_alloc : memref<!tpu.dma_semaphore, #tpu.memory_space<semaphore_mem>>
      %dma_start3A = arith.constant 0 : i32
      %dma_start3A_21 = tpu.memref_slice %arg3[%dma_start3A, %mul3A_10] : memref<2x320000xi32, #tpu.memory_space<hbm>> -> memref<2x10000xi32, #tpu.memory_space<hbm>>
      %dma_start3A_22 = arith.constant 0 : i32
      %dma_start3A_23 = tpu.memref_slice %arg3[%dma_start3A_22, %mul3A_10] : memref<2x320000xi32, #tpu.memory_space<hbm>> -> memref<2x10000xi32, #tpu.memory_space<hbm>>
      tpu.enqueue_dma source(%dma_start3A_23 : memref<2x10000xi32, #tpu.memory_space<hbm>>) target(%arg8 : memref<2x10000xi32, #tpu.memory_space<vmem>>) target_semaphore(%run_scoped3A : memref<!tpu.dma_semaphore, #tpu.memory_space<semaphore_mem>>)
      %dma_wait3A = arith.constant 0 : i32
      %dma_wait3A_24 = tpu.memref_slice %arg3[%dma_wait3A, %mul3A_10] : memref<2x320000xi32, #tpu.memory_space<hbm>> -> memref<2x10000xi32, #tpu.memory_space<hbm>>
      %dma_wait3A_25 = arith.constant 0 : i32
      %dma_wait3A_26 = tpu.memref_slice %arg3[%dma_wait3A_25, %mul3A_10] : memref<2x320000xi32, #tpu.memory_space<hbm>> -> memref<2x10000xi32, #tpu.memory_space<hbm>>
      tpu.wait_dma2 semaphore(%run_scoped3A : memref<!tpu.dma_semaphore, #tpu.memory_space<semaphore_mem>>) src(%dma_wait3A_26 : memref<2x10000xi32, #tpu.memory_space<hbm>>) dst(%arg8 : memref<2x10000xi32, #tpu.memory_space<vmem>>)
      tpu.yield
    }) : () -> ()
    %barrier3A = arith.constant 0 : index
    tpu.barrier barrier_id(%barrier3A)
    %scan3A = arith.constant 0 : i32
    %scan3A_11 = arith.constant 0 : i32
    %scan3A_12 = arith.constant 25 : i32
    %scan3A_13 = arith.addi %scan3A_11, %scan3A_12 : i32
    %scan3A_14 = arith.constant 1 : i32
    scf.for %scan3A_21 = %scan3A_11 to %scan3A_13 step %scan3A_14  : i32 {
      %mul3A_22 = arith.constant 5 : i32
      %mul3A_23 = arith.muli %scan3A_21, %mul3A_22 : i32
      %add3A_24 = arith.constant 0 : i32
      %add3A_25 = arith.addi %mul3A_23, %add3A_24 : i32
      %mul3A_26 = arith.constant 80 : i32
      %mul3A_27 = arith.muli %add3A_25, %mul3A_26 : i32
      %dma_start3A = arith.constant 0 : i32
      %dma_start3A_28 = arith.constant 0 : i32
      %dma_start3A_29 = arith.constant 0 : i32
      %dma_start3A_30 = arith.constant 0 : i32
      %dma_start3A_31 = tpu.memref_slice %arg9[%dma_start3A_28, %dma_start3A_29, %dma_start3A_30] : memref<5x80x8xf32, #tpu.memory_space<vmem>> -> memref<1x80x8xf32, #tpu.memory_space<vmem>>
      %dma_start3A_32 = tpu.memref_squeeze %dma_start3A_31 : memref<1x80x8xf32, #tpu.memory_space<vmem>> -> memref<80x8xf32, #tpu.memory_space<vmem>>
      %dma_start3A_33 = tpu.memref_slice %arg8[%dma_start3A, %mul3A_27] : memref<2x10000xi32, #tpu.memory_space<vmem>> -> memref<1x80xi32, #tpu.memory_space<vmem>>
      %dma_start3A_34 = tpu.memref_squeeze %dma_start3A_33 : memref<1x80xi32, #tpu.memory_space<vmem>> -> memref<80xi32, #tpu.memory_space<vmem>>
      %dma_start3A_35 = arith.constant 0 : i32
      %dma_start3A_36 = arith.constant 0 : i32
      %dma_start3A_37 = tpu.memref_slice %arg7[%dma_start3A_35, %dma_start3A_36] : memref<10112x8xf32, #tpu.memory_space<vmem_shared>> -> memref<10112x8xf32, #tpu.memory_space<vmem_shared>>
      tpu.enqueue_indirect_dma source(%dma_start3A_37 : memref<10112x8xf32, #tpu.memory_space<vmem_shared>>) target(%dma_start3A_32 : memref<80x8xf32, #tpu.memory_space<vmem>>) offsets(%dma_start3A_34 : memref<80xi32, #tpu.memory_space<vmem>>) semaphore(%arg11 : memref<!tpu.dma_semaphore, #tpu.memory_space<semaphore_mem>>)
      %add3A_38 = arith.constant 1 : i32
      %add3A_39 = arith.addi %mul3A_23, %add3A_38 : i32
      %mul3A_40 = arith.constant 80 : i32
      %mul3A_41 = arith.muli %add3A_39, %mul3A_40 : i32
      %dma_start3A_42 = arith.constant 0 : i32
      %dma_start3A_43 = arith.constant 1 : i32
      %dma_start3A_44 = arith.constant 0 : i32
      %dma_start3A_45 = arith.constant 0 : i32
      %dma_start3A_46 = tpu.memref_slice %arg9[%dma_start3A_43, %dma_start3A_44, %dma_start3A_45] : memref<5x80x8xf32, #tpu.memory_space<vmem>> -> memref<1x80x8xf32, #tpu.memory_space<vmem>>
      %dma_start3A_47 = tpu.memref_squeeze %dma_start3A_46 : memref<1x80x8xf32, #tpu.memory_space<vmem>> -> memref<80x8xf32, #tpu.memory_space<vmem>>
      %dma_start3A_48 = tpu.memref_slice %arg8[%dma_start3A_42, %mul3A_41] : memref<2x10000xi32, #tpu.memory_space<vmem>> -> memref<1x80xi32, #tpu.memory_space<vmem>>
      %dma_start3A_49 = tpu.memref_squeeze %dma_start3A_48 : memref<1x80xi32, #tpu.memory_space<vmem>> -> memref<80xi32, #tpu.memory_space<vmem>>
      %dma_start3A_50 = arith.constant 0 : i32
      %dma_start3A_51 = arith.constant 0 : i32
      %dma_start3A_52 = tpu.memref_slice %arg7[%dma_start3A_50, %dma_start3A_51] : memref<10112x8xf32, #tpu.memory_space<vmem_shared>> -> memref<10112x8xf32, #tpu.memory_space<vmem_shared>>
      tpu.enqueue_indirect_dma source(%dma_start3A_52 : memref<10112x8xf32, #tpu.memory_space<vmem_shared>>) target(%dma_start3A_47 : memref<80x8xf32, #tpu.memory_space<vmem>>) offsets(%dma_start3A_49 : memref<80xi32, #tpu.memory_space<vmem>>) semaphore(%arg11 : memref<!tpu.dma_semaphore, #tpu.memory_space<semaphore_mem>>)
      %add3A_53 = arith.constant 2 : i32
      %add3A_54 = arith.addi %mul3A_23, %add3A_53 : i32
      %mul3A_55 = arith.constant 80 : i32
      %mul3A_56 = arith.muli %add3A_54, %mul3A_55 : i32
      %dma_start3A_57 = arith.constant 0 : i32
      %dma_start3A_58 = arith.constant 2 : i32
      %dma_start3A_59 = arith.constant 0 : i32
      %dma_start3A_60 = arith.constant 0 : i32
      %dma_start3A_61 = tpu.memref_slice %arg9[%dma_start3A_58, %dma_start3A_59, %dma_start3A_60] : memref<5x80x8xf32, #tpu.memory_space<vmem>> -> memref<1x80x8xf32, #tpu.memory_space<vmem>>
      %dma_start3A_62 = tpu.memref_squeeze %dma_start3A_61 : memref<1x80x8xf32, #tpu.memory_space<vmem>> -> memref<80x8xf32, #tpu.memory_space<vmem>>
      %dma_start3A_63 = tpu.memref_slice %arg8[%dma_start3A_57, %mul3A_56] : memref<2x10000xi32, #tpu.memory_space<vmem>> -> memref<1x80xi32, #tpu.memory_space<vmem>>
      %dma_start3A_64 = tpu.memref_squeeze %dma_start3A_63 : memref<1x80xi32, #tpu.memory_space<vmem>> -> memref<80xi32, #tpu.memory_space<vmem>>
      %dma_start3A_65 = arith.constant 0 : i32
      %dma_start3A_66 = arith.constant 0 : i32
      %dma_start3A_67 = tpu.memref_slice %arg7[%dma_start3A_65, %dma_start3A_66] : memref<10112x8xf32, #tpu.memory_space<vmem_shared>> -> memref<10112x8xf32, #tpu.memory_space<vmem_shared>>
      tpu.enqueue_indirect_dma source(%dma_start3A_67 : memref<10112x8xf32, #tpu.memory_space<vmem_shared>>) target(%dma_start3A_62 : memref<80x8xf32, #tpu.memory_space<vmem>>) offsets(%dma_start3A_64 : memref<80xi32, #tpu.memory_space<vmem>>) semaphore(%arg11 : memref<!tpu.dma_semaphore, #tpu.memory_space<semaphore_mem>>)
      %add3A_68 = arith.constant 3 : i32
      %add3A_69 = arith.addi %mul3A_23, %add3A_68 : i32
      %mul3A_70 = arith.constant 80 : i32
      %mul3A_71 = arith.muli %add3A_69, %mul3A_70 : i32
      %dma_start3A_72 = arith.constant 0 : i32
      %dma_start3A_73 = arith.constant 3 : i32
      %dma_start3A_74 = arith.constant 0 : i32
      %dma_start3A_75 = arith.constant 0 : i32
      %dma_start3A_76 = tpu.memref_slice %arg9[%dma_start3A_73, %dma_start3A_74, %dma_start3A_75] : memref<5x80x8xf32, #tpu.memory_space<vmem>> -> memref<1x80x8xf32, #tpu.memory_space<vmem>>
      %dma_start3A_77 = tpu.memref_squeeze %dma_start3A_76 : memref<1x80x8xf32, #tpu.memory_space<vmem>> -> memref<80x8xf32, #tpu.memory_space<vmem>>
      %dma_start3A_78 = tpu.memref_slice %arg8[%dma_start3A_72, %mul3A_71] : memref<2x10000xi32, #tpu.memory_space<vmem>> -> memref<1x80xi32, #tpu.memory_space<vmem>>
      %dma_start3A_79 = tpu.memref_squeeze %dma_start3A_78 : memref<1x80xi32, #tpu.memory_space<vmem>> -> memref<80xi32, #tpu.memory_space<vmem>>
      %dma_start3A_80 = arith.constant 0 : i32
      %dma_start3A_81 = arith.constant 0 : i32
      %dma_start3A_82 = tpu.memref_slice %arg7[%dma_start3A_80, %dma_start3A_81] : memref<10112x8xf32, #tpu.memory_space<vmem_shared>> -> memref<10112x8xf32, #tpu.memory_space<vmem_shared>>
      tpu.enqueue_indirect_dma source(%dma_start3A_82 : memref<10112x8xf32, #tpu.memory_space<vmem_shared>>) target(%dma_start3A_77 : memref<80x8xf32, #tpu.memory_space<vmem>>) offsets(%dma_start3A_79 : memref<80xi32, #tpu.memory_space<vmem>>) semaphore(%arg11 : memref<!tpu.dma_semaphore, #tpu.memory_space<semaphore_mem>>)
      %add3A_83 = arith.constant 4 : i32
      %add3A_84 = arith.addi %mul3A_23, %add3A_83 : i32
      %mul3A_85 = arith.constant 80 : i32
      %mul3A_86 = arith.muli %add3A_84, %mul3A_85 : i32
      %dma_start3A_87 = arith.constant 0 : i32
      %dma_start3A_88 = arith.constant 4 : i32
      %dma_start3A_89 = arith.constant 0 : i32
      %dma_start3A_90 = arith.constant 0 : i32
      %dma_start3A_91 = tpu.memref_slice %arg9[%dma_start3A_88, %dma_start3A_89, %dma_start3A_90] : memref<5x80x8xf32, #tpu.memory_space<vmem>> -> memref<1x80x8xf32, #tpu.memory_space<vmem>>
      %dma_start3A_92 = tpu.memref_squeeze %dma_start3A_91 : memref<1x80x8xf32, #tpu.memory_space<vmem>> -> memref<80x8xf32, #tpu.memory_space<vmem>>
      %dma_start3A_93 = tpu.memref_slice %arg8[%dma_start3A_87, %mul3A_86] : memref<2x10000xi32, #tpu.memory_space<vmem>> -> memref<1x80xi32, #tpu.memory_space<vmem>>
      %dma_start3A_94 = tpu.memref_squeeze %dma_start3A_93 : memref<1x80xi32, #tpu.memory_space<vmem>> -> memref<80xi32, #tpu.memory_space<vmem>>
      %dma_start3A_95 = arith.constant 0 : i32
      %dma_start3A_96 = arith.constant 0 : i32
      %dma_start3A_97 = tpu.memref_slice %arg7[%dma_start3A_95, %dma_start3A_96] : memref<10112x8xf32, #tpu.memory_space<vmem_shared>> -> memref<10112x8xf32, #tpu.memory_space<vmem_shared>>
      tpu.enqueue_indirect_dma source(%dma_start3A_97 : memref<10112x8xf32, #tpu.memory_space<vmem_shared>>) target(%dma_start3A_92 : memref<80x8xf32, #tpu.memory_space<vmem>>) offsets(%dma_start3A_94 : memref<80xi32, #tpu.memory_space<vmem>>) semaphore(%arg11 : memref<!tpu.dma_semaphore, #tpu.memory_space<semaphore_mem>>)
      %dma_wait3A = arith.constant 0 : i32
      %dma_wait3A_98 = arith.constant 0 : i32
      %dma_wait3A_99 = arith.constant 0 : i32
      %dma_wait3A_100 = arith.constant 0 : i32
      %dma_wait3A_101 = tpu.memref_slice %arg9[%dma_wait3A_98, %dma_wait3A_99, %dma_wait3A_100] : memref<5x80x8xf32, #tpu.memory_space<vmem>> -> memref<1x80x8xf32, #tpu.memory_space<vmem>>
      %dma_wait3A_102 = tpu.memref_squeeze %dma_wait3A_101 : memref<1x80x8xf32, #tpu.memory_space<vmem>> -> memref<80x8xf32, #tpu.memory_space<vmem>>
      %dma_wait3A_103 = tpu.memref_slice %arg8[%dma_wait3A, %mul3A_27] : memref<2x10000xi32, #tpu.memory_space<vmem>> -> memref<1x80xi32, #tpu.memory_space<vmem>>
      %dma_wait3A_104 = tpu.memref_squeeze %dma_wait3A_103 : memref<1x80xi32, #tpu.memory_space<vmem>> -> memref<80xi32, #tpu.memory_space<vmem>>
      %dma_wait3A_105 = arith.constant 0 : i32
      %dma_wait3A_106 = arith.constant 0 : i32
      %dma_wait3A_107 = tpu.memref_slice %arg7[%dma_wait3A_105, %dma_wait3A_106] : memref<10112x8xf32, #tpu.memory_space<vmem_shared>> -> memref<10112x8xf32, #tpu.memory_space<vmem_shared>>
      tpu.wait_indirect_dma semaphore(%arg11 : memref<!tpu.dma_semaphore, #tpu.memory_space<semaphore_mem>>) src(%dma_wait3A_107 : memref<10112x8xf32, #tpu.memory_space<vmem_shared>>) dst(%dma_wait3A_102 : memref<80x8xf32, #tpu.memory_space<vmem>>)
      %add3A_108 = arith.constant 0 : i32
      %add3A_109 = arith.addi %mul3A_23, %add3A_108 : i32
      %mul3A_110 = arith.constant 80 : i32
      %mul3A_111 = arith.muli %add3A_109, %mul3A_110 : i32
      %dma_start3A_112 = arith.constant 0 : i32
      %dma_start3A_113 = arith.constant 1 : i32
      %dma_start3A_114 = arith.constant 0 : i32
      %dma_start3A_115 = arith.constant 0 : i32
      %dma_start3A_116 = tpu.memref_slice %arg9[%dma_start3A_112, %dma_start3A_114, %dma_start3A_115] : memref<5x80x8xf32, #tpu.memory_space<vmem>> -> memref<1x80x8xf32, #tpu.memory_space<vmem>>
      %dma_start3A_117 = tpu.memref_squeeze %dma_start3A_116 : memref<1x80x8xf32, #tpu.memory_space<vmem>> -> memref<80x8xf32, #tpu.memory_space<vmem>>
      %dma_start3A_118 = tpu.memref_slice %arg8[%dma_start3A_113, %mul3A_111] : memref<2x10000xi32, #tpu.memory_space<vmem>> -> memref<1x80xi32, #tpu.memory_space<vmem>>
      %dma_start3A_119 = tpu.memref_squeeze %dma_start3A_118 : memref<1x80xi32, #tpu.memory_space<vmem>> -> memref<80xi32, #tpu.memory_space<vmem>>
      %dma_start3A_120 = arith.constant 0 : i32
      %dma_start3A_121 = arith.constant 0 : i32
      %dma_start3A_122 = tpu.memref_slice %arg6[%dma_start3A_120, %dma_start3A_121] : memref<10112x8xf32, #tpu.memory_space<vmem_shared>> -> memref<10112x8xf32, #tpu.memory_space<vmem_shared>>
      tpu.enqueue_indirect_dma source(%dma_start3A_117 : memref<80x8xf32, #tpu.memory_space<vmem>>) target(%dma_start3A_122 : memref<10112x8xf32, #tpu.memory_space<vmem_shared>>) offsets(%dma_start3A_119 : memref<80xi32, #tpu.memory_space<vmem>>) semaphore(%arg12 : memref<!tpu.dma_semaphore, #tpu.memory_space<semaphore_mem>>) {add = true}
      %dma_wait3A_123 = arith.constant 0 : i32
      %dma_wait3A_124 = arith.constant 1 : i32
      %dma_wait3A_125 = arith.constant 0 : i32
      %dma_wait3A_126 = arith.constant 0 : i32
      %dma_wait3A_127 = tpu.memref_slice %arg9[%dma_wait3A_124, %dma_wait3A_125, %dma_wait3A_126] : memref<5x80x8xf32, #tpu.memory_space<vmem>> -> memref<1x80x8xf32, #tpu.memory_space<vmem>>
      %dma_wait3A_128 = tpu.memref_squeeze %dma_wait3A_127 : memref<1x80x8xf32, #tpu.memory_space<vmem>> -> memref<80x8xf32, #tpu.memory_space<vmem>>
      %dma_wait3A_129 = tpu.memref_slice %arg8[%dma_wait3A_123, %mul3A_41] : memref<2x10000xi32, #tpu.memory_space<vmem>> -> memref<1x80xi32, #tpu.memory_space<vmem>>
      %dma_wait3A_130 = tpu.memref_squeeze %dma_wait3A_129 : memref<1x80xi32, #tpu.memory_space<vmem>> -> memref<80xi32, #tpu.memory_space<vmem>>
      %dma_wait3A_131 = arith.constant 0 : i32
      %dma_wait3A_132 = arith.constant 0 : i32
      %dma_wait3A_133 = tpu.memref_slice %arg7[%dma_wait3A_131, %dma_wait3A_132] : memref<10112x8xf32, #tpu.memory_space<vmem_shared>> -> memref<10112x8xf32, #tpu.memory_space<vmem_shared>>
      tpu.wait_indirect_dma semaphore(%arg11 : memref<!tpu.dma_semaphore, #tpu.memory_space<semaphore_mem>>) src(%dma_wait3A_133 : memref<10112x8xf32, #tpu.memory_space<vmem_shared>>) dst(%dma_wait3A_128 : memref<80x8xf32, #tpu.memory_space<vmem>>)
      %add3A_134 = arith.constant 1 : i32
      %add3A_135 = arith.addi %mul3A_23, %add3A_134 : i32
      %mul3A_136 = arith.constant 80 : i32
      %mul3A_137 = arith.muli %add3A_135, %mul3A_136 : i32
      %dma_start3A_138 = arith.constant 1 : i32
      %dma_start3A_139 = arith.constant 1 : i32
      %dma_start3A_140 = arith.constant 0 : i32
      %dma_start3A_141 = arith.constant 0 : i32
      %dma_start3A_142 = tpu.memref_slice %arg9[%dma_start3A_138, %dma_start3A_140, %dma_start3A_141] : memref<5x80x8xf32, #tpu.memory_space<vmem>> -> memref<1x80x8xf32, #tpu.memory_space<vmem>>
      %dma_start3A_143 = tpu.memref_squeeze %dma_start3A_142 : memref<1x80x8xf32, #tpu.memory_space<vmem>> -> memref<80x8xf32, #tpu.memory_space<vmem>>
      %dma_start3A_144 = tpu.memref_slice %arg8[%dma_start3A_139, %mul3A_137] : memref<2x10000xi32, #tpu.memory_space<vmem>> -> memref<1x80xi32, #tpu.memory_space<vmem>>
      %dma_start3A_145 = tpu.memref_squeeze %dma_start3A_144 : memref<1x80xi32, #tpu.memory_space<vmem>> -> memref<80xi32, #tpu.memory_space<vmem>>
      %dma_start3A_146 = arith.constant 0 : i32
      %dma_start3A_147 = arith.constant 0 : i32
      %dma_start3A_148 = tpu.memref_slice %arg6[%dma_start3A_146, %dma_start3A_147] : memref<10112x8xf32, #tpu.memory_space<vmem_shared>> -> memref<10112x8xf32, #tpu.memory_space<vmem_shared>>
      tpu.enqueue_indirect_dma source(%dma_start3A_143 : memref<80x8xf32, #tpu.memory_space<vmem>>) target(%dma_start3A_148 : memref<10112x8xf32, #tpu.memory_space<vmem_shared>>) offsets(%dma_start3A_145 : memref<80xi32, #tpu.memory_space<vmem>>) semaphore(%arg12 : memref<!tpu.dma_semaphore, #tpu.memory_space<semaphore_mem>>) {add = true}
      %dma_wait3A_149 = arith.constant 0 : i32
      %dma_wait3A_150 = arith.constant 2 : i32
      %dma_wait3A_151 = arith.constant 0 : i32
      %dma_wait3A_152 = arith.constant 0 : i32
      %dma_wait3A_153 = tpu.memref_slice %arg9[%dma_wait3A_150, %dma_wait3A_151, %dma_wait3A_152] : memref<5x80x8xf32, #tpu.memory_space<vmem>> -> memref<1x80x8xf32, #tpu.memory_space<vmem>>
      %dma_wait3A_154 = tpu.memref_squeeze %dma_wait3A_153 : memref<1x80x8xf32, #tpu.memory_space<vmem>> -> memref<80x8xf32, #tpu.memory_space<vmem>>
      %dma_wait3A_155 = tpu.memref_slice %arg8[%dma_wait3A_149, %mul3A_56] : memref<2x10000xi32, #tpu.memory_space<vmem>> -> memref<1x80xi32, #tpu.memory_space<vmem>>
      %dma_wait3A_156 = tpu.memref_squeeze %dma_wait3A_155 : memref<1x80xi32, #tpu.memory_space<vmem>> -> memref<80xi32, #tpu.memory_space<vmem>>
      %dma_wait3A_157 = arith.constant 0 : i32
      %dma_wait3A_158 = arith.constant 0 : i32
      %dma_wait3A_159 = tpu.memref_slice %arg7[%dma_wait3A_157, %dma_wait3A_158] : memref<10112x8xf32, #tpu.memory_space<vmem_shared>> -> memref<10112x8xf32, #tpu.memory_space<vmem_shared>>
      tpu.wait_indirect_dma semaphore(%arg11 : memref<!tpu.dma_semaphore, #tpu.memory_space<semaphore_mem>>) src(%dma_wait3A_159 : memref<10112x8xf32, #tpu.memory_space<vmem_shared>>) dst(%dma_wait3A_154 : memref<80x8xf32, #tpu.memory_space<vmem>>)
      %add3A_160 = arith.constant 2 : i32
      %add3A_161 = arith.addi %mul3A_23, %add3A_160 : i32
      %mul3A_162 = arith.constant 80 : i32
      %mul3A_163 = arith.muli %add3A_161, %mul3A_162 : i32
      %dma_start3A_164 = arith.constant 2 : i32
      %dma_start3A_165 = arith.constant 1 : i32
      %dma_start3A_166 = arith.constant 0 : i32
      %dma_start3A_167 = arith.constant 0 : i32
      %dma_start3A_168 = tpu.memref_slice %arg9[%dma_start3A_164, %dma_start3A_166, %dma_start3A_167] : memref<5x80x8xf32, #tpu.memory_space<vmem>> -> memref<1x80x8xf32, #tpu.memory_space<vmem>>
      %dma_start3A_169 = tpu.memref_squeeze %dma_start3A_168 : memref<1x80x8xf32, #tpu.memory_space<vmem>> -> memref<80x8xf32, #tpu.memory_space<vmem>>
      %dma_start3A_170 = tpu.memref_slice %arg8[%dma_start3A_165, %mul3A_163] : memref<2x10000xi32, #tpu.memory_space<vmem>> -> memref<1x80xi32, #tpu.memory_space<vmem>>
      %dma_start3A_171 = tpu.memref_squeeze %dma_start3A_170 : memref<1x80xi32, #tpu.memory_space<vmem>> -> memref<80xi32, #tpu.memory_space<vmem>>
      %dma_start3A_172 = arith.constant 0 : i32
      %dma_start3A_173 = arith.constant 0 : i32
      %dma_start3A_174 = tpu.memref_slice %arg6[%dma_start3A_172, %dma_start3A_173] : memref<10112x8xf32, #tpu.memory_space<vmem_shared>> -> memref<10112x8xf32, #tpu.memory_space<vmem_shared>>
      tpu.enqueue_indirect_dma source(%dma_start3A_169 : memref<80x8xf32, #tpu.memory_space<vmem>>) target(%dma_start3A_174 : memref<10112x8xf32, #tpu.memory_space<vmem_shared>>) offsets(%dma_start3A_171 : memref<80xi32, #tpu.memory_space<vmem>>) semaphore(%arg12 : memref<!tpu.dma_semaphore, #tpu.memory_space<semaphore_mem>>) {add = true}
      %dma_wait3A_175 = arith.constant 0 : i32
      %dma_wait3A_176 = arith.constant 3 : i32
      %dma_wait3A_177 = arith.constant 0 : i32
      %dma_wait3A_178 = arith.constant 0 : i32
      %dma_wait3A_179 = tpu.memref_slice %arg9[%dma_wait3A_176, %dma_wait3A_177, %dma_wait3A_178] : memref<5x80x8xf32, #tpu.memory_space<vmem>> -> memref<1x80x8xf32, #tpu.memory_space<vmem>>
      %dma_wait3A_180 = tpu.memref_squeeze %dma_wait3A_179 : memref<1x80x8xf32, #tpu.memory_space<vmem>> -> memref<80x8xf32, #tpu.memory_space<vmem>>
      %dma_wait3A_181 = tpu.memref_slice %arg8[%dma_wait3A_175, %mul3A_71] : memref<2x10000xi32, #tpu.memory_space<vmem>> -> memref<1x80xi32, #tpu.memory_space<vmem>>
      %dma_wait3A_182 = tpu.memref_squeeze %dma_wait3A_181 : memref<1x80xi32, #tpu.memory_space<vmem>> -> memref<80xi32, #tpu.memory_space<vmem>>
      %dma_wait3A_183 = arith.constant 0 : i32
      %dma_wait3A_184 = arith.constant 0 : i32
      %dma_wait3A_185 = tpu.memref_slice %arg7[%dma_wait3A_183, %dma_wait3A_184] : memref<10112x8xf32, #tpu.memory_space<vmem_shared>> -> memref<10112x8xf32, #tpu.memory_space<vmem_shared>>
      tpu.wait_indirect_dma semaphore(%arg11 : memref<!tpu.dma_semaphore, #tpu.memory_space<semaphore_mem>>) src(%dma_wait3A_185 : memref<10112x8xf32, #tpu.memory_space<vmem_shared>>) dst(%dma_wait3A_180 : memref<80x8xf32, #tpu.memory_space<vmem>>)
      %add3A_186 = arith.constant 3 : i32
      %add3A_187 = arith.addi %mul3A_23, %add3A_186 : i32
      %mul3A_188 = arith.constant 80 : i32
      %mul3A_189 = arith.muli %add3A_187, %mul3A_188 : i32
      %dma_start3A_190 = arith.constant 3 : i32
      %dma_start3A_191 = arith.constant 1 : i32
      %dma_start3A_192 = arith.constant 0 : i32
      %dma_start3A_193 = arith.constant 0 : i32
      %dma_start3A_194 = tpu.memref_slice %arg9[%dma_start3A_190, %dma_start3A_192, %dma_start3A_193] : memref<5x80x8xf32, #tpu.memory_space<vmem>> -> memref<1x80x8xf32, #tpu.memory_space<vmem>>
      %dma_start3A_195 = tpu.memref_squeeze %dma_start3A_194 : memref<1x80x8xf32, #tpu.memory_space<vmem>> -> memref<80x8xf32, #tpu.memory_space<vmem>>
      %dma_start3A_196 = tpu.memref_slice %arg8[%dma_start3A_191, %mul3A_189] : memref<2x10000xi32, #tpu.memory_space<vmem>> -> memref<1x80xi32, #tpu.memory_space<vmem>>
      %dma_start3A_197 = tpu.memref_squeeze %dma_start3A_196 : memref<1x80xi32, #tpu.memory_space<vmem>> -> memref<80xi32, #tpu.memory_space<vmem>>
      %dma_start3A_198 = arith.constant 0 : i32
      %dma_start3A_199 = arith.constant 0 : i32
      %dma_start3A_200 = tpu.memref_slice %arg6[%dma_start3A_198, %dma_start3A_199] : memref<10112x8xf32, #tpu.memory_space<vmem_shared>> -> memref<10112x8xf32, #tpu.memory_space<vmem_shared>>
      tpu.enqueue_indirect_dma source(%dma_start3A_195 : memref<80x8xf32, #tpu.memory_space<vmem>>) target(%dma_start3A_200 : memref<10112x8xf32, #tpu.memory_space<vmem_shared>>) offsets(%dma_start3A_197 : memref<80xi32, #tpu.memory_space<vmem>>) semaphore(%arg12 : memref<!tpu.dma_semaphore, #tpu.memory_space<semaphore_mem>>) {add = true}
      %dma_wait3A_201 = arith.constant 0 : i32
      %dma_wait3A_202 = arith.constant 4 : i32
      %dma_wait3A_203 = arith.constant 0 : i32
      %dma_wait3A_204 = arith.constant 0 : i32
      %dma_wait3A_205 = tpu.memref_slice %arg9[%dma_wait3A_202, %dma_wait3A_203, %dma_wait3A_204] : memref<5x80x8xf32, #tpu.memory_space<vmem>> -> memref<1x80x8xf32, #tpu.memory_space<vmem>>
      %dma_wait3A_206 = tpu.memref_squeeze %dma_wait3A_205 : memref<1x80x8xf32, #tpu.memory_space<vmem>> -> memref<80x8xf32, #tpu.memory_space<vmem>>
      %dma_wait3A_207 = tpu.memref_slice %arg8[%dma_wait3A_201, %mul3A_86] : memref<2x10000xi32, #tpu.memory_space<vmem>> -> memref<1x80xi32, #tpu.memory_space<vmem>>
      %dma_wait3A_208 = tpu.memref_squeeze %dma_wait3A_207 : memref<1x80xi32, #tpu.memory_space<vmem>> -> memref<80xi32, #tpu.memory_space<vmem>>
      %dma_wait3A_209 = arith.constant 0 : i32
      %dma_wait3A_210 = arith.constant 0 : i32
      %dma_wait3A_211 = tpu.memref_slice %arg7[%dma_wait3A_209, %dma_wait3A_210] : memref<10112x8xf32, #tpu.memory_space<vmem_shared>> -> memref<10112x8xf32, #tpu.memory_space<vmem_shared>>
      tpu.wait_indirect_dma semaphore(%arg11 : memref<!tpu.dma_semaphore, #tpu.memory_space<semaphore_mem>>) src(%dma_wait3A_211 : memref<10112x8xf32, #tpu.memory_space<vmem_shared>>) dst(%dma_wait3A_206 : memref<80x8xf32, #tpu.memory_space<vmem>>)
      %add3A_212 = arith.constant 4 : i32
      %add3A_213 = arith.addi %mul3A_23, %add3A_212 : i32
      %mul3A_214 = arith.constant 80 : i32
      %mul3A_215 = arith.muli %add3A_213, %mul3A_214 : i32
      %dma_start3A_216 = arith.constant 4 : i32
      %dma_start3A_217 = arith.constant 1 : i32
      %dma_start3A_218 = arith.constant 0 : i32
      %dma_start3A_219 = arith.constant 0 : i32
      %dma_start3A_220 = tpu.memref_slice %arg9[%dma_start3A_216, %dma_start3A_218, %dma_start3A_219] : memref<5x80x8xf32, #tpu.memory_space<vmem>> -> memref<1x80x8xf32, #tpu.memory_space<vmem>>
      %dma_start3A_221 = tpu.memref_squeeze %dma_start3A_220 : memref<1x80x8xf32, #tpu.memory_space<vmem>> -> memref<80x8xf32, #tpu.memory_space<vmem>>
      %dma_start3A_222 = tpu.memref_slice %arg8[%dma_start3A_217, %mul3A_215] : memref<2x10000xi32, #tpu.memory_space<vmem>> -> memref<1x80xi32, #tpu.memory_space<vmem>>
      %dma_start3A_223 = tpu.memref_squeeze %dma_start3A_222 : memref<1x80xi32, #tpu.memory_space<vmem>> -> memref<80xi32, #tpu.memory_space<vmem>>
      %dma_start3A_224 = arith.constant 0 : i32
      %dma_start3A_225 = arith.constant 0 : i32
      %dma_start3A_226 = tpu.memref_slice %arg6[%dma_start3A_224, %dma_start3A_225] : memref<10112x8xf32, #tpu.memory_space<vmem_shared>> -> memref<10112x8xf32, #tpu.memory_space<vmem_shared>>
      tpu.enqueue_indirect_dma source(%dma_start3A_221 : memref<80x8xf32, #tpu.memory_space<vmem>>) target(%dma_start3A_226 : memref<10112x8xf32, #tpu.memory_space<vmem_shared>>) offsets(%dma_start3A_223 : memref<80xi32, #tpu.memory_space<vmem>>) semaphore(%arg12 : memref<!tpu.dma_semaphore, #tpu.memory_space<semaphore_mem>>) {add = true}
      %dma_wait3A_227 = arith.constant 0 : i32
      %dma_wait3A_228 = arith.constant 1 : i32
      %dma_wait3A_229 = arith.constant 0 : i32
      %dma_wait3A_230 = arith.constant 0 : i32
      %dma_wait3A_231 = tpu.memref_slice %arg9[%dma_wait3A_227, %dma_wait3A_229, %dma_wait3A_230] : memref<5x80x8xf32, #tpu.memory_space<vmem>> -> memref<1x80x8xf32, #tpu.memory_space<vmem>>
      %dma_wait3A_232 = tpu.memref_squeeze %dma_wait3A_231 : memref<1x80x8xf32, #tpu.memory_space<vmem>> -> memref<80x8xf32, #tpu.memory_space<vmem>>
      %dma_wait3A_233 = tpu.memref_slice %arg8[%dma_wait3A_228, %mul3A_111] : memref<2x10000xi32, #tpu.memory_space<vmem>> -> memref<1x80xi32, #tpu.memory_space<vmem>>
      %dma_wait3A_234 = tpu.memref_squeeze %dma_wait3A_233 : memref<1x80xi32, #tpu.memory_space<vmem>> -> memref<80xi32, #tpu.memory_space<vmem>>
      %dma_wait3A_235 = arith.constant 0 : i32
      %dma_wait3A_236 = arith.constant 0 : i32
      %dma_wait3A_237 = tpu.memref_slice %arg6[%dma_wait3A_235, %dma_wait3A_236] : memref<10112x8xf32, #tpu.memory_space<vmem_shared>> -> memref<10112x8xf32, #tpu.memory_space<vmem_shared>>
      tpu.wait_indirect_dma semaphore(%arg12 : memref<!tpu.dma_semaphore, #tpu.memory_space<semaphore_mem>>) src(%dma_wait3A_232 : memref<80x8xf32, #tpu.memory_space<vmem>>) dst(%dma_wait3A_237 : memref<10112x8xf32, #tpu.memory_space<vmem_shared>>)
      %dma_wait3A_238 = arith.constant 1 : i32
      %dma_wait3A_239 = arith.constant 1 : i32
      %dma_wait3A_240 = arith.constant 0 : i32
      %dma_wait3A_241 = arith.constant 0 : i32
      %dma_wait3A_242 = tpu.memref_slice %arg9[%dma_wait3A_238, %dma_wait3A_240, %dma_wait3A_241] : memref<5x80x8xf32, #tpu.memory_space<vmem>> -> memref<1x80x8xf32, #tpu.memory_space<vmem>>
      %dma_wait3A_243 = tpu.memref_squeeze %dma_wait3A_242 : memref<1x80x8xf32, #tpu.memory_space<vmem>> -> memref<80x8xf32, #tpu.memory_space<vmem>>
      %dma_wait3A_244 = tpu.memref_slice %arg8[%dma_wait3A_239, %mul3A_137] : memref<2x10000xi32, #tpu.memory_space<vmem>> -> memref<1x80xi32, #tpu.memory_space<vmem>>
      %dma_wait3A_245 = tpu.memref_squeeze %dma_wait3A_244 : memref<1x80xi32, #tpu.memory_space<vmem>> -> memref<80xi32, #tpu.memory_space<vmem>>
      %dma_wait3A_246 = arith.constant 0 : i32
      %dma_wait3A_247 = arith.constant 0 : i32
      %dma_wait3A_248 = tpu.memref_slice %arg6[%dma_wait3A_246, %dma_wait3A_247] : memref<10112x8xf32, #tpu.memory_space<vmem_shared>> -> memref<10112x8xf32, #tpu.memory_space<vmem_shared>>
      tpu.wait_indirect_dma semaphore(%arg12 : memref<!tpu.dma_semaphore, #tpu.memory_space<semaphore_mem>>) src(%dma_wait3A_243 : memref<80x8xf32, #tpu.memory_space<vmem>>) dst(%dma_wait3A_248 : memref<10112x8xf32, #tpu.memory_space<vmem_shared>>)
      %dma_wait3A_249 = arith.constant 2 : i32
      %dma_wait3A_250 = arith.constant 1 : i32
      %dma_wait3A_251 = arith.constant 0 : i32
      %dma_wait3A_252 = arith.constant 0 : i32
      %dma_wait3A_253 = tpu.memref_slice %arg9[%dma_wait3A_249, %dma_wait3A_251, %dma_wait3A_252] : memref<5x80x8xf32, #tpu.memory_space<vmem>> -> memref<1x80x8xf32, #tpu.memory_space<vmem>>
      %dma_wait3A_254 = tpu.memref_squeeze %dma_wait3A_253 : memref<1x80x8xf32, #tpu.memory_space<vmem>> -> memref<80x8xf32, #tpu.memory_space<vmem>>
      %dma_wait3A_255 = tpu.memref_slice %arg8[%dma_wait3A_250, %mul3A_163] : memref<2x10000xi32, #tpu.memory_space<vmem>> -> memref<1x80xi32, #tpu.memory_space<vmem>>
      %dma_wait3A_256 = tpu.memref_squeeze %dma_wait3A_255 : memref<1x80xi32, #tpu.memory_space<vmem>> -> memref<80xi32, #tpu.memory_space<vmem>>
      %dma_wait3A_257 = arith.constant 0 : i32
      %dma_wait3A_258 = arith.constant 0 : i32
      %dma_wait3A_259 = tpu.memref_slice %arg6[%dma_wait3A_257, %dma_wait3A_258] : memref<10112x8xf32, #tpu.memory_space<vmem_shared>> -> memref<10112x8xf32, #tpu.memory_space<vmem_shared>>
      tpu.wait_indirect_dma semaphore(%arg12 : memref<!tpu.dma_semaphore, #tpu.memory_space<semaphore_mem>>) src(%dma_wait3A_254 : memref<80x8xf32, #tpu.memory_space<vmem>>) dst(%dma_wait3A_259 : memref<10112x8xf32, #tpu.memory_space<vmem_shared>>)
      %dma_wait3A_260 = arith.constant 3 : i32
      %dma_wait3A_261 = arith.constant 1 : i32
      %dma_wait3A_262 = arith.constant 0 : i32
      %dma_wait3A_263 = arith.constant 0 : i32
      %dma_wait3A_264 = tpu.memref_slice %arg9[%dma_wait3A_260, %dma_wait3A_262, %dma_wait3A_263] : memref<5x80x8xf32, #tpu.memory_space<vmem>> -> memref<1x80x8xf32, #tpu.memory_space<vmem>>
      %dma_wait3A_265 = tpu.memref_squeeze %dma_wait3A_264 : memref<1x80x8xf32, #tpu.memory_space<vmem>> -> memref<80x8xf32, #tpu.memory_space<vmem>>
      %dma_wait3A_266 = tpu.memref_slice %arg8[%dma_wait3A_261, %mul3A_189] : memref<2x10000xi32, #tpu.memory_space<vmem>> -> memref<1x80xi32, #tpu.memory_space<vmem>>
      %dma_wait3A_267 = tpu.memref_squeeze %dma_wait3A_266 : memref<1x80xi32, #tpu.memory_space<vmem>> -> memref<80xi32, #tpu.memory_space<vmem>>
      %dma_wait3A_268 = arith.constant 0 : i32
      %dma_wait3A_269 = arith.constant 0 : i32
      %dma_wait3A_270 = tpu.memref_slice %arg6[%dma_wait3A_268, %dma_wait3A_269] : memref<10112x8xf32, #tpu.memory_space<vmem_shared>> -> memref<10112x8xf32, #tpu.memory_space<vmem_shared>>
      tpu.wait_indirect_dma semaphore(%arg12 : memref<!tpu.dma_semaphore, #tpu.memory_space<semaphore_mem>>) src(%dma_wait3A_265 : memref<80x8xf32, #tpu.memory_space<vmem>>) dst(%dma_wait3A_270 : memref<10112x8xf32, #tpu.memory_space<vmem_shared>>)
      %dma_wait3A_271 = arith.constant 4 : i32
      %dma_wait3A_272 = arith.constant 1 : i32
      %dma_wait3A_273 = arith.constant 0 : i32
      %dma_wait3A_274 = arith.constant 0 : i32
      %dma_wait3A_275 = tpu.memref_slice %arg9[%dma_wait3A_271, %dma_wait3A_273, %dma_wait3A_274] : memref<5x80x8xf32, #tpu.memory_space<vmem>> -> memref<1x80x8xf32, #tpu.memory_space<vmem>>
      %dma_wait3A_276 = tpu.memref_squeeze %dma_wait3A_275 : memref<1x80x8xf32, #tpu.memory_space<vmem>> -> memref<80x8xf32, #tpu.memory_space<vmem>>
      %dma_wait3A_277 = tpu.memref_slice %arg8[%dma_wait3A_272, %mul3A_215] : memref<2x10000xi32, #tpu.memory_space<vmem>> -> memref<1x80xi32, #tpu.memory_space<vmem>>
      %dma_wait3A_278 = tpu.memref_squeeze %dma_wait3A_277 : memref<1x80xi32, #tpu.memory_space<vmem>> -> memref<80xi32, #tpu.memory_space<vmem>>
      %dma_wait3A_279 = arith.constant 0 : i32
      %dma_wait3A_280 = arith.constant 0 : i32
      %dma_wait3A_281 = tpu.memref_slice %arg6[%dma_wait3A_279, %dma_wait3A_280] : memref<10112x8xf32, #tpu.memory_space<vmem_shared>> -> memref<10112x8xf32, #tpu.memory_space<vmem_shared>>
      tpu.wait_indirect_dma semaphore(%arg12 : memref<!tpu.dma_semaphore, #tpu.memory_space<semaphore_mem>>) src(%dma_wait3A_276 : memref<80x8xf32, #tpu.memory_space<vmem>>) dst(%dma_wait3A_281 : memref<10112x8xf32, #tpu.memory_space<vmem_shared>>)
    }
    %scan3A_15 = arith.constant 25 : i32
    %barrier3A_16 = arith.constant 0 : index
    tpu.barrier barrier_id(%barrier3A_16)
    %mul3A_17 = arith.constant 632 : i32
    %mul3A_18 = arith.muli %arg1, %mul3A_17 : i32
    "tpu.region"() ({
      %run_scoped3A = tpu.sem_alloc : memref<!tpu.dma_semaphore, #tpu.memory_space<semaphore_mem>>
      %dma_start3A = arith.constant 0 : i32
      %dma_start3A_21 = tpu.memref_slice %arg6[%mul3A_18, %dma_start3A] : memref<10112x8xf32, #tpu.memory_space<vmem_shared>> -> memref<632x8xf32, #tpu.memory_space<vmem_shared>>
      %dma_start3A_22 = arith.constant 0 : i32
      %dma_start3A_23 = tpu.memref_slice %arg6[%mul3A_18, %dma_start3A_22] : memref<10112x8xf32, #tpu.memory_space<vmem_shared>> -> memref<632x8xf32, #tpu.memory_space<vmem_shared>>
      tpu.enqueue_dma source(%dma_start3A_23 : memref<632x8xf32, #tpu.memory_space<vmem_shared>>) target(%arg10 : memref<632x8xf32, #tpu.memory_space<vmem>>) target_semaphore(%run_scoped3A : memref<!tpu.dma_semaphore, #tpu.memory_space<semaphore_mem>>)
      %dma_wait3A = arith.constant 0 : i32
      %dma_wait3A_24 = tpu.memref_slice %arg6[%mul3A_18, %dma_wait3A] : memref<10112x8xf32, #tpu.memory_space<vmem_shared>> -> memref<632x8xf32, #tpu.memory_space<vmem_shared>>
      %dma_wait3A_25 = arith.constant 0 : i32
      %dma_wait3A_26 = tpu.memref_slice %arg6[%mul3A_18, %dma_wait3A_25] : memref<10112x8xf32, #tpu.memory_space<vmem_shared>> -> memref<632x8xf32, #tpu.memory_space<vmem_shared>>
      tpu.wait_dma2 semaphore(%run_scoped3A : memref<!tpu.dma_semaphore, #tpu.memory_space<semaphore_mem>>) src(%dma_wait3A_26 : memref<632x8xf32, #tpu.memory_space<vmem_shared>>) dst(%arg10 : memref<632x8xf32, #tpu.memory_space<vmem>>)
      tpu.yield
    }) : () -> ()
    %mul3A_19 = arith.constant 632 : i32
    %mul3A_20 = arith.muli %arg1, %mul3A_19 : i32
    "tpu.region"() ({
      %run_scoped3A = tpu.sem_alloc : memref<!tpu.dma_semaphore, #tpu.memory_space<semaphore_mem>>
      %dma_start3A = arith.constant 0 : i32
      %dma_start3A_21 = tpu.memref_slice %arg5[%arg0, %mul3A_20, %dma_start3A] : memref<2x10112x8xf32, #tpu.memory_space<hbm>> -> memref<1x632x8xf32, #tpu.memory_space<hbm>>
      %dma_start3A_22 = tpu.memref_squeeze %dma_start3A_21 : memref<1x632x8xf32, #tpu.memory_space<hbm>> -> memref<632x8xf32, #tpu.memory_space<hbm>>
      %dma_start3A_23 = arith.constant 0 : i32
      %dma_start3A_24 = tpu.memref_slice %arg5[%arg0, %mul3A_20, %dma_start3A_23] : memref<2x10112x8xf32, #tpu.memory_space<hbm>> -> memref<1x632x8xf32, #tpu.memory_space<hbm>>
      %dma_start3A_25 = tpu.memref_squeeze %dma_start3A_24 : memref<1x632x8xf32, #tpu.memory_space<hbm>> -> memref<632x8xf32, #tpu.memory_space<hbm>>
      tpu.enqueue_dma source(%arg10 : memref<632x8xf32, #tpu.memory_space<vmem>>) target(%dma_start3A_25 : memref<632x8xf32, #tpu.memory_space<hbm>>) target_semaphore(%run_scoped3A : memref<!tpu.dma_semaphore, #tpu.memory_space<semaphore_mem>>)
      %dma_wait3A = arith.constant 0 : i32
      %dma_wait3A_26 = tpu.memref_slice %arg5[%arg0, %mul3A_20, %dma_wait3A] : memref<2x10112x8xf32, #tpu.memory_space<hbm>> -> memref<1x632x8xf32, #tpu.memory_space<hbm>>
      %dma_wait3A_27 = tpu.memref_squeeze %dma_wait3A_26 : memref<1x632x8xf32, #tpu.memory_space<hbm>> -> memref<632x8xf32, #tpu.memory_space<hbm>>
      %dma_wait3A_28 = arith.constant 0 : i32
      %dma_wait3A_29 = tpu.memref_slice %arg5[%arg0, %mul3A_20, %dma_wait3A_28] : memref<2x10112x8xf32, #tpu.memory_space<hbm>> -> memref<1x632x8xf32, #tpu.memory_space<hbm>>
      %dma_wait3A_30 = tpu.memref_squeeze %dma_wait3A_29 : memref<1x632x8xf32, #tpu.memory_space<hbm>> -> memref<632x8xf32, #tpu.memory_space<hbm>>
      tpu.wait_dma2 semaphore(%run_scoped3A : memref<!tpu.dma_semaphore, #tpu.memory_space<semaphore_mem>>) src(%arg10 : memref<632x8xf32, #tpu.memory_space<vmem>>) dst(%dma_wait3A_30 : memref<632x8xf32, #tpu.memory_space<hbm>>)
      tpu.yield
    }) : () -> ()
    return
  }
}

#map = affine_map<(d0, d1) -> (0, 0)>
#map1 = affine_map<(d0, d1) -> (0, 0, 0)>
module attributes {stable_mosaic.version = 14 : i64} {
  func.func @_sc_degree(%arg0: i32, %arg1: i32, %arg2: memref<2x320000xi32, #tpu.memory_space<hbm>>, %arg3: memref<80x8xf32, #tpu.memory_space<hbm>>, %arg4: memref<632x8xf32, #tpu.memory_space<hbm>>, %arg5: memref<2x10112x8xf32, #tpu.memory_space<hbm>>, %arg6: memref<10112x8xf32, #tpu.memory_space<vmem_shared>>, %arg7: memref<10000xi32, #tpu.memory_space<vmem>>, %arg8: memref<80x8xf32, #tpu.memory_space<vmem>>, %arg9: memref<632x8xf32, #tpu.memory_space<vmem>>, %arg10: memref<!tpu.dma_semaphore, #tpu.memory_space<semaphore_mem>>) attributes {dimension_semantics = [#tpu.dimension_semantics<core_parallel>, #tpu.dimension_semantics<subcore_parallel>], iteration_bounds = array<i64: 2, 16>, scalar_prefetch = 0 : i64, scratch_operands = 5 : i64, tpu.core_type = #tpu.core_type<sc_vector_subcore>, window_params = [{transform_indices = #map}, {transform_indices = #map}, {transform_indices = #map}, {transform_indices = #map1}]} {
    %mul3A = arith.constant 2 : i32
    %mul3A_0 = arith.muli %arg1, %mul3A : i32
    %add3A = arith.addi %mul3A_0, %arg0 : i32
    "tpu.region"() ({
      %run_scoped3A_17 = tpu.sem_alloc : memref<!tpu.dma_semaphore, #tpu.memory_space<semaphore_mem>>
      tpu.enqueue_dma source(%arg4 : memref<632x8xf32, #tpu.memory_space<hbm>>) target(%arg9 : memref<632x8xf32, #tpu.memory_space<vmem>>) target_semaphore(%run_scoped3A_17 : memref<!tpu.dma_semaphore, #tpu.memory_space<semaphore_mem>>)
      tpu.wait_dma2 semaphore(%run_scoped3A_17 : memref<!tpu.dma_semaphore, #tpu.memory_space<semaphore_mem>>) src(%arg4 : memref<632x8xf32, #tpu.memory_space<hbm>>) dst(%arg9 : memref<632x8xf32, #tpu.memory_space<vmem>>)
      tpu.yield
    }) : () -> ()
    %mul3A_1 = arith.constant 632 : i32
    %mul3A_2 = arith.muli %arg1, %mul3A_1 : i32
    "tpu.region"() ({
      %run_scoped3A_17 = tpu.sem_alloc : memref<!tpu.dma_semaphore, #tpu.memory_space<semaphore_mem>>
      %dma_start3A = arith.constant 0 : i32
      %dma_start3A_18 = tpu.memref_slice %arg6[%mul3A_2, %dma_start3A] : memref<10112x8xf32, #tpu.memory_space<vmem_shared>> -> memref<632x8xf32, #tpu.memory_space<vmem_shared>>
      %dma_start3A_19 = arith.constant 0 : i32
      %dma_start3A_20 = tpu.memref_slice %arg6[%mul3A_2, %dma_start3A_19] : memref<10112x8xf32, #tpu.memory_space<vmem_shared>> -> memref<632x8xf32, #tpu.memory_space<vmem_shared>>
      tpu.enqueue_dma source(%arg9 : memref<632x8xf32, #tpu.memory_space<vmem>>) target(%dma_start3A_20 : memref<632x8xf32, #tpu.memory_space<vmem_shared>>) target_semaphore(%run_scoped3A_17 : memref<!tpu.dma_semaphore, #tpu.memory_space<semaphore_mem>>)
      %dma_wait3A = arith.constant 0 : i32
      %dma_wait3A_21 = tpu.memref_slice %arg6[%mul3A_2, %dma_wait3A] : memref<10112x8xf32, #tpu.memory_space<vmem_shared>> -> memref<632x8xf32, #tpu.memory_space<vmem_shared>>
      %dma_wait3A_22 = arith.constant 0 : i32
      %dma_wait3A_23 = tpu.memref_slice %arg6[%mul3A_2, %dma_wait3A_22] : memref<10112x8xf32, #tpu.memory_space<vmem_shared>> -> memref<632x8xf32, #tpu.memory_space<vmem_shared>>
      tpu.wait_dma2 semaphore(%run_scoped3A_17 : memref<!tpu.dma_semaphore, #tpu.memory_space<semaphore_mem>>) src(%arg9 : memref<632x8xf32, #tpu.memory_space<vmem>>) dst(%dma_wait3A_23 : memref<632x8xf32, #tpu.memory_space<vmem_shared>>)
      tpu.yield
    }) : () -> ()
    "tpu.region"() ({
      %run_scoped3A_17 = tpu.sem_alloc : memref<!tpu.dma_semaphore, #tpu.memory_space<semaphore_mem>>
      tpu.enqueue_dma source(%arg3 : memref<80x8xf32, #tpu.memory_space<hbm>>) target(%arg8 : memref<80x8xf32, #tpu.memory_space<vmem>>) target_semaphore(%run_scoped3A_17 : memref<!tpu.dma_semaphore, #tpu.memory_space<semaphore_mem>>)
      tpu.wait_dma2 semaphore(%run_scoped3A_17 : memref<!tpu.dma_semaphore, #tpu.memory_space<semaphore_mem>>) src(%arg3 : memref<80x8xf32, #tpu.memory_space<hbm>>) dst(%arg8 : memref<80x8xf32, #tpu.memory_space<vmem>>)
      tpu.yield
    }) : () -> ()
    %mul3A_3 = arith.constant 125 : i32
    %mul3A_4 = arith.muli %add3A, %mul3A_3 : i32
    %mul3A_5 = arith.constant 80 : i32
    %mul3A_6 = arith.muli %mul3A_4, %mul3A_5 : i32
    %run_scoped3A = arith.constant 1 : i32
    "tpu.region"() ({
      %run_scoped3A_17 = tpu.sem_alloc : memref<!tpu.dma_semaphore, #tpu.memory_space<semaphore_mem>>
      %dma_start3A = tpu.memref_slice %arg2[%run_scoped3A, %mul3A_6] : memref<2x320000xi32, #tpu.memory_space<hbm>> -> memref<1x10000xi32, #tpu.memory_space<hbm>>
      %dma_start3A_18 = tpu.memref_squeeze %dma_start3A : memref<1x10000xi32, #tpu.memory_space<hbm>> -> memref<10000xi32, #tpu.memory_space<hbm>>
      %dma_start3A_19 = tpu.memref_slice %arg2[%run_scoped3A, %mul3A_6] : memref<2x320000xi32, #tpu.memory_space<hbm>> -> memref<1x10000xi32, #tpu.memory_space<hbm>>
      %dma_start3A_20 = tpu.memref_squeeze %dma_start3A_19 : memref<1x10000xi32, #tpu.memory_space<hbm>> -> memref<10000xi32, #tpu.memory_space<hbm>>
      tpu.enqueue_dma source(%dma_start3A_20 : memref<10000xi32, #tpu.memory_space<hbm>>) target(%arg7 : memref<10000xi32, #tpu.memory_space<vmem>>) target_semaphore(%run_scoped3A_17 : memref<!tpu.dma_semaphore, #tpu.memory_space<semaphore_mem>>)
      %dma_wait3A = tpu.memref_slice %arg2[%run_scoped3A, %mul3A_6] : memref<2x320000xi32, #tpu.memory_space<hbm>> -> memref<1x10000xi32, #tpu.memory_space<hbm>>
      %dma_wait3A_21 = tpu.memref_squeeze %dma_wait3A : memref<1x10000xi32, #tpu.memory_space<hbm>> -> memref<10000xi32, #tpu.memory_space<hbm>>
      %dma_wait3A_22 = tpu.memref_slice %arg2[%run_scoped3A, %mul3A_6] : memref<2x320000xi32, #tpu.memory_space<hbm>> -> memref<1x10000xi32, #tpu.memory_space<hbm>>
      %dma_wait3A_23 = tpu.memref_squeeze %dma_wait3A_22 : memref<1x10000xi32, #tpu.memory_space<hbm>> -> memref<10000xi32, #tpu.memory_space<hbm>>
      tpu.wait_dma2 semaphore(%run_scoped3A_17 : memref<!tpu.dma_semaphore, #tpu.memory_space<semaphore_mem>>) src(%dma_wait3A_23 : memref<10000xi32, #tpu.memory_space<hbm>>) dst(%arg7 : memref<10000xi32, #tpu.memory_space<vmem>>)
      tpu.yield
    }) : () -> ()
    %barrier3A = arith.constant 0 : index
    tpu.barrier barrier_id(%barrier3A)
    %scan3A = arith.constant 0 : i32
    %scan3A_7 = arith.constant 0 : i32
    %scan3A_8 = arith.constant 25 : i32
    %scan3A_9 = arith.addi %scan3A_7, %scan3A_8 : i32
    %scan3A_10 = arith.constant 1 : i32
    scf.for %scan3A_17 = %scan3A_7 to %scan3A_9 step %scan3A_10  : i32 {
      %mul3A_18 = arith.constant 5 : i32
      %mul3A_19 = arith.muli %scan3A_17, %mul3A_18 : i32
      %add3A_20 = arith.constant 0 : i32
      %add3A_21 = arith.addi %mul3A_19, %add3A_20 : i32
      %mul3A_22 = arith.constant 80 : i32
      %mul3A_23 = arith.muli %add3A_21, %mul3A_22 : i32
      %dma_start3A = tpu.memref_slice %arg7[%mul3A_23] : memref<10000xi32, #tpu.memory_space<vmem>> -> memref<80xi32, #tpu.memory_space<vmem>>
      %dma_start3A_24 = arith.constant 0 : i32
      %dma_start3A_25 = arith.constant 0 : i32
      %dma_start3A_26 = tpu.memref_slice %arg6[%dma_start3A_24, %dma_start3A_25] : memref<10112x8xf32, #tpu.memory_space<vmem_shared>> -> memref<10112x8xf32, #tpu.memory_space<vmem_shared>>
      tpu.enqueue_indirect_dma source(%arg8 : memref<80x8xf32, #tpu.memory_space<vmem>>) target(%dma_start3A_26 : memref<10112x8xf32, #tpu.memory_space<vmem_shared>>) offsets(%dma_start3A : memref<80xi32, #tpu.memory_space<vmem>>) semaphore(%arg10 : memref<!tpu.dma_semaphore, #tpu.memory_space<semaphore_mem>>) {add = true}
      %add3A_27 = arith.constant 1 : i32
      %add3A_28 = arith.addi %mul3A_19, %add3A_27 : i32
      %mul3A_29 = arith.constant 80 : i32
      %mul3A_30 = arith.muli %add3A_28, %mul3A_29 : i32
      %dma_start3A_31 = tpu.memref_slice %arg7[%mul3A_30] : memref<10000xi32, #tpu.memory_space<vmem>> -> memref<80xi32, #tpu.memory_space<vmem>>
      %dma_start3A_32 = arith.constant 0 : i32
      %dma_start3A_33 = arith.constant 0 : i32
      %dma_start3A_34 = tpu.memref_slice %arg6[%dma_start3A_32, %dma_start3A_33] : memref<10112x8xf32, #tpu.memory_space<vmem_shared>> -> memref<10112x8xf32, #tpu.memory_space<vmem_shared>>
      tpu.enqueue_indirect_dma source(%arg8 : memref<80x8xf32, #tpu.memory_space<vmem>>) target(%dma_start3A_34 : memref<10112x8xf32, #tpu.memory_space<vmem_shared>>) offsets(%dma_start3A_31 : memref<80xi32, #tpu.memory_space<vmem>>) semaphore(%arg10 : memref<!tpu.dma_semaphore, #tpu.memory_space<semaphore_mem>>) {add = true}
      %add3A_35 = arith.constant 2 : i32
      %add3A_36 = arith.addi %mul3A_19, %add3A_35 : i32
      %mul3A_37 = arith.constant 80 : i32
      %mul3A_38 = arith.muli %add3A_36, %mul3A_37 : i32
      %dma_start3A_39 = tpu.memref_slice %arg7[%mul3A_38] : memref<10000xi32, #tpu.memory_space<vmem>> -> memref<80xi32, #tpu.memory_space<vmem>>
      %dma_start3A_40 = arith.constant 0 : i32
      %dma_start3A_41 = arith.constant 0 : i32
      %dma_start3A_42 = tpu.memref_slice %arg6[%dma_start3A_40, %dma_start3A_41] : memref<10112x8xf32, #tpu.memory_space<vmem_shared>> -> memref<10112x8xf32, #tpu.memory_space<vmem_shared>>
      tpu.enqueue_indirect_dma source(%arg8 : memref<80x8xf32, #tpu.memory_space<vmem>>) target(%dma_start3A_42 : memref<10112x8xf32, #tpu.memory_space<vmem_shared>>) offsets(%dma_start3A_39 : memref<80xi32, #tpu.memory_space<vmem>>) semaphore(%arg10 : memref<!tpu.dma_semaphore, #tpu.memory_space<semaphore_mem>>) {add = true}
      %add3A_43 = arith.constant 3 : i32
      %add3A_44 = arith.addi %mul3A_19, %add3A_43 : i32
      %mul3A_45 = arith.constant 80 : i32
      %mul3A_46 = arith.muli %add3A_44, %mul3A_45 : i32
      %dma_start3A_47 = tpu.memref_slice %arg7[%mul3A_46] : memref<10000xi32, #tpu.memory_space<vmem>> -> memref<80xi32, #tpu.memory_space<vmem>>
      %dma_start3A_48 = arith.constant 0 : i32
      %dma_start3A_49 = arith.constant 0 : i32
      %dma_start3A_50 = tpu.memref_slice %arg6[%dma_start3A_48, %dma_start3A_49] : memref<10112x8xf32, #tpu.memory_space<vmem_shared>> -> memref<10112x8xf32, #tpu.memory_space<vmem_shared>>
      tpu.enqueue_indirect_dma source(%arg8 : memref<80x8xf32, #tpu.memory_space<vmem>>) target(%dma_start3A_50 : memref<10112x8xf32, #tpu.memory_space<vmem_shared>>) offsets(%dma_start3A_47 : memref<80xi32, #tpu.memory_space<vmem>>) semaphore(%arg10 : memref<!tpu.dma_semaphore, #tpu.memory_space<semaphore_mem>>) {add = true}
      %add3A_51 = arith.constant 4 : i32
      %add3A_52 = arith.addi %mul3A_19, %add3A_51 : i32
      %mul3A_53 = arith.constant 80 : i32
      %mul3A_54 = arith.muli %add3A_52, %mul3A_53 : i32
      %dma_start3A_55 = tpu.memref_slice %arg7[%mul3A_54] : memref<10000xi32, #tpu.memory_space<vmem>> -> memref<80xi32, #tpu.memory_space<vmem>>
      %dma_start3A_56 = arith.constant 0 : i32
      %dma_start3A_57 = arith.constant 0 : i32
      %dma_start3A_58 = tpu.memref_slice %arg6[%dma_start3A_56, %dma_start3A_57] : memref<10112x8xf32, #tpu.memory_space<vmem_shared>> -> memref<10112x8xf32, #tpu.memory_space<vmem_shared>>
      tpu.enqueue_indirect_dma source(%arg8 : memref<80x8xf32, #tpu.memory_space<vmem>>) target(%dma_start3A_58 : memref<10112x8xf32, #tpu.memory_space<vmem_shared>>) offsets(%dma_start3A_55 : memref<80xi32, #tpu.memory_space<vmem>>) semaphore(%arg10 : memref<!tpu.dma_semaphore, #tpu.memory_space<semaphore_mem>>) {add = true}
      %dma_wait3A = tpu.memref_slice %arg7[%mul3A_23] : memref<10000xi32, #tpu.memory_space<vmem>> -> memref<80xi32, #tpu.memory_space<vmem>>
      %dma_wait3A_59 = arith.constant 0 : i32
      %dma_wait3A_60 = arith.constant 0 : i32
      %dma_wait3A_61 = tpu.memref_slice %arg6[%dma_wait3A_59, %dma_wait3A_60] : memref<10112x8xf32, #tpu.memory_space<vmem_shared>> -> memref<10112x8xf32, #tpu.memory_space<vmem_shared>>
      tpu.wait_indirect_dma semaphore(%arg10 : memref<!tpu.dma_semaphore, #tpu.memory_space<semaphore_mem>>) src(%arg8 : memref<80x8xf32, #tpu.memory_space<vmem>>) dst(%dma_wait3A_61 : memref<10112x8xf32, #tpu.memory_space<vmem_shared>>)
      %dma_wait3A_62 = tpu.memref_slice %arg7[%mul3A_30] : memref<10000xi32, #tpu.memory_space<vmem>> -> memref<80xi32, #tpu.memory_space<vmem>>
      %dma_wait3A_63 = arith.constant 0 : i32
      %dma_wait3A_64 = arith.constant 0 : i32
      %dma_wait3A_65 = tpu.memref_slice %arg6[%dma_wait3A_63, %dma_wait3A_64] : memref<10112x8xf32, #tpu.memory_space<vmem_shared>> -> memref<10112x8xf32, #tpu.memory_space<vmem_shared>>
      tpu.wait_indirect_dma semaphore(%arg10 : memref<!tpu.dma_semaphore, #tpu.memory_space<semaphore_mem>>) src(%arg8 : memref<80x8xf32, #tpu.memory_space<vmem>>) dst(%dma_wait3A_65 : memref<10112x8xf32, #tpu.memory_space<vmem_shared>>)
      %dma_wait3A_66 = tpu.memref_slice %arg7[%mul3A_38] : memref<10000xi32, #tpu.memory_space<vmem>> -> memref<80xi32, #tpu.memory_space<vmem>>
      %dma_wait3A_67 = arith.constant 0 : i32
      %dma_wait3A_68 = arith.constant 0 : i32
      %dma_wait3A_69 = tpu.memref_slice %arg6[%dma_wait3A_67, %dma_wait3A_68] : memref<10112x8xf32, #tpu.memory_space<vmem_shared>> -> memref<10112x8xf32, #tpu.memory_space<vmem_shared>>
      tpu.wait_indirect_dma semaphore(%arg10 : memref<!tpu.dma_semaphore, #tpu.memory_space<semaphore_mem>>) src(%arg8 : memref<80x8xf32, #tpu.memory_space<vmem>>) dst(%dma_wait3A_69 : memref<10112x8xf32, #tpu.memory_space<vmem_shared>>)
      %dma_wait3A_70 = tpu.memref_slice %arg7[%mul3A_46] : memref<10000xi32, #tpu.memory_space<vmem>> -> memref<80xi32, #tpu.memory_space<vmem>>
      %dma_wait3A_71 = arith.constant 0 : i32
      %dma_wait3A_72 = arith.constant 0 : i32
      %dma_wait3A_73 = tpu.memref_slice %arg6[%dma_wait3A_71, %dma_wait3A_72] : memref<10112x8xf32, #tpu.memory_space<vmem_shared>> -> memref<10112x8xf32, #tpu.memory_space<vmem_shared>>
      tpu.wait_indirect_dma semaphore(%arg10 : memref<!tpu.dma_semaphore, #tpu.memory_space<semaphore_mem>>) src(%arg8 : memref<80x8xf32, #tpu.memory_space<vmem>>) dst(%dma_wait3A_73 : memref<10112x8xf32, #tpu.memory_space<vmem_shared>>)
      %dma_wait3A_74 = tpu.memref_slice %arg7[%mul3A_54] : memref<10000xi32, #tpu.memory_space<vmem>> -> memref<80xi32, #tpu.memory_space<vmem>>
      %dma_wait3A_75 = arith.constant 0 : i32
      %dma_wait3A_76 = arith.constant 0 : i32
      %dma_wait3A_77 = tpu.memref_slice %arg6[%dma_wait3A_75, %dma_wait3A_76] : memref<10112x8xf32, #tpu.memory_space<vmem_shared>> -> memref<10112x8xf32, #tpu.memory_space<vmem_shared>>
      tpu.wait_indirect_dma semaphore(%arg10 : memref<!tpu.dma_semaphore, #tpu.memory_space<semaphore_mem>>) src(%arg8 : memref<80x8xf32, #tpu.memory_space<vmem>>) dst(%dma_wait3A_77 : memref<10112x8xf32, #tpu.memory_space<vmem_shared>>)
    }
    %scan3A_11 = arith.constant 25 : i32
    %barrier3A_12 = arith.constant 0 : index
    tpu.barrier barrier_id(%barrier3A_12)
    %mul3A_13 = arith.constant 632 : i32
    %mul3A_14 = arith.muli %arg1, %mul3A_13 : i32
    "tpu.region"() ({
      %run_scoped3A_17 = tpu.sem_alloc : memref<!tpu.dma_semaphore, #tpu.memory_space<semaphore_mem>>
      %dma_start3A = arith.constant 0 : i32
      %dma_start3A_18 = tpu.memref_slice %arg6[%mul3A_14, %dma_start3A] : memref<10112x8xf32, #tpu.memory_space<vmem_shared>> -> memref<632x8xf32, #tpu.memory_space<vmem_shared>>
      %dma_start3A_19 = arith.constant 0 : i32
      %dma_start3A_20 = tpu.memref_slice %arg6[%mul3A_14, %dma_start3A_19] : memref<10112x8xf32, #tpu.memory_space<vmem_shared>> -> memref<632x8xf32, #tpu.memory_space<vmem_shared>>
      tpu.enqueue_dma source(%dma_start3A_20 : memref<632x8xf32, #tpu.memory_space<vmem_shared>>) target(%arg9 : memref<632x8xf32, #tpu.memory_space<vmem>>) target_semaphore(%run_scoped3A_17 : memref<!tpu.dma_semaphore, #tpu.memory_space<semaphore_mem>>)
      %dma_wait3A = arith.constant 0 : i32
      %dma_wait3A_21 = tpu.memref_slice %arg6[%mul3A_14, %dma_wait3A] : memref<10112x8xf32, #tpu.memory_space<vmem_shared>> -> memref<632x8xf32, #tpu.memory_space<vmem_shared>>
      %dma_wait3A_22 = arith.constant 0 : i32
      %dma_wait3A_23 = tpu.memref_slice %arg6[%mul3A_14, %dma_wait3A_22] : memref<10112x8xf32, #tpu.memory_space<vmem_shared>> -> memref<632x8xf32, #tpu.memory_space<vmem_shared>>
      tpu.wait_dma2 semaphore(%run_scoped3A_17 : memref<!tpu.dma_semaphore, #tpu.memory_space<semaphore_mem>>) src(%dma_wait3A_23 : memref<632x8xf32, #tpu.memory_space<vmem_shared>>) dst(%arg9 : memref<632x8xf32, #tpu.memory_space<vmem>>)
      tpu.yield
    }) : () -> ()
    %mul3A_15 = arith.constant 632 : i32
    %mul3A_16 = arith.muli %arg1, %mul3A_15 : i32
    "tpu.region"() ({
      %run_scoped3A_17 = tpu.sem_alloc : memref<!tpu.dma_semaphore, #tpu.memory_space<semaphore_mem>>
      %dma_start3A = arith.constant 0 : i32
      %dma_start3A_18 = tpu.memref_slice %arg5[%arg0, %mul3A_16, %dma_start3A] : memref<2x10112x8xf32, #tpu.memory_space<hbm>> -> memref<1x632x8xf32, #tpu.memory_space<hbm>>
      %dma_start3A_19 = tpu.memref_squeeze %dma_start3A_18 : memref<1x632x8xf32, #tpu.memory_space<hbm>> -> memref<632x8xf32, #tpu.memory_space<hbm>>
      %dma_start3A_20 = arith.constant 0 : i32
      %dma_start3A_21 = tpu.memref_slice %arg5[%arg0, %mul3A_16, %dma_start3A_20] : memref<2x10112x8xf32, #tpu.memory_space<hbm>> -> memref<1x632x8xf32, #tpu.memory_space<hbm>>
      %dma_start3A_22 = tpu.memref_squeeze %dma_start3A_21 : memref<1x632x8xf32, #tpu.memory_space<hbm>> -> memref<632x8xf32, #tpu.memory_space<hbm>>
      tpu.enqueue_dma source(%arg9 : memref<632x8xf32, #tpu.memory_space<vmem>>) target(%dma_start3A_22 : memref<632x8xf32, #tpu.memory_space<hbm>>) target_semaphore(%run_scoped3A_17 : memref<!tpu.dma_semaphore, #tpu.memory_space<semaphore_mem>>)
      %dma_wait3A = arith.constant 0 : i32
      %dma_wait3A_23 = tpu.memref_slice %arg5[%arg0, %mul3A_16, %dma_wait3A] : memref<2x10112x8xf32, #tpu.memory_space<hbm>> -> memref<1x632x8xf32, #tpu.memory_space<hbm>>
      %dma_wait3A_24 = tpu.memref_squeeze %dma_wait3A_23 : memref<1x632x8xf32, #tpu.memory_space<hbm>> -> memref<632x8xf32, #tpu.memory_space<hbm>>
      %dma_wait3A_25 = arith.constant 0 : i32
      %dma_wait3A_26 = tpu.memref_slice %arg5[%arg0, %mul3A_16, %dma_wait3A_25] : memref<2x10112x8xf32, #tpu.memory_space<hbm>> -> memref<1x632x8xf32, #tpu.memory_space<hbm>>
      %dma_wait3A_27 = tpu.memref_squeeze %dma_wait3A_26 : memref<1x632x8xf32, #tpu.memory_space<hbm>> -> memref<632x8xf32, #tpu.memory_space<hbm>>
      tpu.wait_dma2 semaphore(%run_scoped3A_17 : memref<!tpu.dma_semaphore, #tpu.memory_space<semaphore_mem>>) src(%arg9 : memref<632x8xf32, #tpu.memory_space<vmem>>) dst(%dma_wait3A_27 : memref<632x8xf32, #tpu.memory_space<hbm>>)
      tpu.yield
    }) : () -> ()
    return
  }
}

module attributes {stable_mosaic.version = 14 : i64} {
  func.func @_tc_pre(%arg0: memref<1264x128xf32, #tpu.memory_space<vmem>>, %arg1: memref<632x2048xf32, #tpu.memory_space<vmem>>, %arg2: memref<2048x128xf32, #tpu.memory_space<vmem>>, %arg3: memref<632x128xf32, #tpu.memory_space<vmem>>, %arg4: memref<632x128xf32, #tpu.memory_space<vmem>>) attributes {dimension_semantics = [], scalar_prefetch = 0 : i64, scratch_operands = 0 : i64, tpu.core_type = #tpu.core_type<tc>} {
    %get3A = arith.constant 0 : index
    %get3A_0 = arith.constant 0 : index
    %get3A_1 = vector.load %arg0[%get3A, %get3A_0] : memref<1264x128xf32, #tpu.memory_space<vmem>>, vector<632x128xf32>
    %get3A_2 = arith.constant 632 : index
    %get3A_3 = arith.constant 0 : index
    %get3A_4 = vector.load %arg0[%get3A_2, %get3A_3] : memref<1264x128xf32, #tpu.memory_space<vmem>>, vector<632x128xf32>
    %add3A = arith.addf %get3A_1, %get3A_4 : vector<632x128xf32>
    %add3A_5 = arith.constant 1.000000e+00 : f32
    %add3A_6 = vector.broadcast %add3A_5 : f32 to vector<632x128xf32>
    %add3A_7 = arith.addf %add3A, %add3A_6 : vector<632x128xf32>
    %rsqrt3A = math.rsqrt %add3A_7 : vector<632x128xf32>
    %swap3A = arith.constant 0 : index
    %swap3A_8 = arith.constant 0 : index
    %swap3A_9 = vector.load %arg3[%swap3A, %swap3A_8] : memref<632x128xf32, #tpu.memory_space<vmem>>, vector<632x128xf32>
    tpu.vector_store %arg3[%swap3A, %swap3A_8], %rsqrt3A {strides = array<i32>} : memref<632x128xf32, #tpu.memory_space<vmem>>, vector<632x128xf32>,
    %get3A_10 = arith.constant 0 : index
    %get3A_11 = arith.constant 0 : index
    %get3A_12 = vector.load %arg1[%get3A_10, %get3A_11] : memref<632x2048xf32, #tpu.memory_space<vmem>>, vector<632x2048xf32>
    %get3A_13 = arith.constant 0 : index
    %get3A_14 = arith.constant 0 : index
    %get3A_15 = vector.load %arg2[%get3A_13, %get3A_14] : memref<2048x128xf32, #tpu.memory_space<vmem>>, vector<2048x128xf32>
    %dot_general3A = arith.constant dense<0.000000e+00> : vector<632x128xf32>
    %dot_general3A_16 = tpu.matmul %get3A_12, %get3A_15, %dot_general3A {dimension_numbers = #tpu.dot_dimension_numbers<[1], [0], [0], [1], [0, 0, 1, 1], [], []>, transpose_lhs_hint = false} : vector<632x2048xf32>, vector<2048x128xf32>, vector<632x128xf32> -> vector<632x128xf32>
    %mul3A = arith.mulf %dot_general3A_16, %rsqrt3A : vector<632x128xf32>
    %swap3A_17 = arith.constant 0 : index
    %swap3A_18 = arith.constant 0 : index
    %swap3A_19 = vector.load %arg4[%swap3A_17, %swap3A_18] : memref<632x128xf32, #tpu.memory_space<vmem>>, vector<632x128xf32>
    tpu.vector_store %arg4[%swap3A_17, %swap3A_18], %mul3A {strides = array<i32>} : memref<632x128xf32, #tpu.memory_space<vmem>>, vector<632x128xf32>,
    return
  }
}

module attributes {stable_mosaic.version = 14 : i64} {
  func.func @_tc_mid(%arg0: memref<1264x128xf32, #tpu.memory_space<vmem>>, %arg1: memref<632x128xf32, #tpu.memory_space<vmem>>, %arg2: memref<632x128xf32, #tpu.memory_space<vmem>>, %arg3: memref<1x128xf32, #tpu.memory_space<vmem>>, %arg4: memref<128x128xf32, #tpu.memory_space<vmem>>, %arg5: memref<632x128xf32, #tpu.memory_space<vmem>>) attributes {dimension_semantics = [], scalar_prefetch = 0 : i64, scratch_operands = 0 : i64, tpu.core_type = #tpu.core_type<tc>} {
    %get3A = arith.constant 0 : index
    %get3A_0 = arith.constant 0 : index
    %get3A_1 = vector.load %arg2[%get3A, %get3A_0] : memref<632x128xf32, #tpu.memory_space<vmem>>, vector<632x128xf32>
    %get3A_2 = arith.constant 0 : index
    %get3A_3 = arith.constant 0 : index
    %get3A_4 = vector.load %arg0[%get3A_2, %get3A_3] : memref<1264x128xf32, #tpu.memory_space<vmem>>, vector<632x128xf32>
    %get3A_5 = arith.constant 632 : index
    %get3A_6 = arith.constant 0 : index
    %get3A_7 = vector.load %arg0[%get3A_5, %get3A_6] : memref<1264x128xf32, #tpu.memory_space<vmem>>, vector<632x128xf32>
    %add3A = arith.addf %get3A_4, %get3A_7 : vector<632x128xf32>
    %get3A_8 = arith.constant 0 : index
    %get3A_9 = arith.constant 0 : index
    %get3A_10 = vector.load %arg1[%get3A_8, %get3A_9] : memref<632x128xf32, #tpu.memory_space<vmem>>, vector<632x128xf32>
    %add3A_11 = arith.addf %add3A, %get3A_10 : vector<632x128xf32>
    %mul3A = arith.mulf %get3A_1, %add3A_11 : vector<632x128xf32>
    %get3A_12 = arith.constant 0 : index
    %get3A_13 = arith.constant 0 : index
    %get3A_14 = vector.load %arg3[%get3A_12, %get3A_13] : memref<1x128xf32, #tpu.memory_space<vmem>>, vector<1x128xf32>
    %add3A_15 = vector.broadcast %get3A_14 : vector<1x128xf32> to vector<632x128xf32>
    %add3A_16 = arith.addf %mul3A, %add3A_15 : vector<632x128xf32>
    %max3A = arith.constant 0.000000e+00 : f32
    %max3A_17 = vector.broadcast %max3A : f32 to vector<632x128xf32>
    %max3A_18 = arith.maximumf %add3A_16, %max3A_17 : vector<632x128xf32>
    %get3A_19 = arith.constant 0 : index
    %get3A_20 = arith.constant 0 : index
    %get3A_21 = vector.load %arg4[%get3A_19, %get3A_20] : memref<128x128xf32, #tpu.memory_space<vmem>>, vector<128x128xf32>
    %dot_general3A = arith.constant dense<0.000000e+00> : vector<632x128xf32>
    %dot_general3A_22 = tpu.matmul %max3A_18, %get3A_21, %dot_general3A {dimension_numbers = #tpu.dot_dimension_numbers<[1], [0], [0], [1], [0, 0, 1, 1], [], []>, transpose_lhs_hint = false} : vector<632x128xf32>, vector<128x128xf32>, vector<632x128xf32> -> vector<632x128xf32>
    %mul3A_23 = arith.mulf %dot_general3A_22, %get3A_1 : vector<632x128xf32>
    %swap3A = arith.constant 0 : index
    %swap3A_24 = arith.constant 0 : index
    %swap3A_25 = vector.load %arg5[%swap3A, %swap3A_24] : memref<632x128xf32, #tpu.memory_space<vmem>>, vector<632x128xf32>
    tpu.vector_store %arg5[%swap3A, %swap3A_24], %mul3A_23 {strides = array<i32>} : memref<632x128xf32, #tpu.memory_space<vmem>>, vector<632x128xf32>,
    return
  }
}

module attributes {stable_mosaic.version = 14 : i64} {
  func.func @_tc_post(%arg0: memref<1264x128xf32, #tpu.memory_space<vmem>>, %arg1: memref<632x128xf32, #tpu.memory_space<vmem>>, %arg2: memref<632x128xf32, #tpu.memory_space<vmem>>, %arg3: memref<1x128xf32, #tpu.memory_space<vmem>>, %arg4: memref<632x128xf32, #tpu.memory_space<vmem>>) attributes {dimension_semantics = [], scalar_prefetch = 0 : i64, scratch_operands = 0 : i64, tpu.core_type = #tpu.core_type<tc>} {
    %get3A = arith.constant 0 : index
    %get3A_0 = arith.constant 0 : index
    %get3A_1 = vector.load %arg2[%get3A, %get3A_0] : memref<632x128xf32, #tpu.memory_space<vmem>>, vector<632x128xf32>
    %get3A_2 = arith.constant 0 : index
    %get3A_3 = arith.constant 0 : index
    %get3A_4 = vector.load %arg0[%get3A_2, %get3A_3] : memref<1264x128xf32, #tpu.memory_space<vmem>>, vector<632x128xf32>
    %get3A_5 = arith.constant 632 : index
    %get3A_6 = arith.constant 0 : index
    %get3A_7 = vector.load %arg0[%get3A_5, %get3A_6] : memref<1264x128xf32, #tpu.memory_space<vmem>>, vector<632x128xf32>
    %add3A = arith.addf %get3A_4, %get3A_7 : vector<632x128xf32>
    %get3A_8 = arith.constant 0 : index
    %get3A_9 = arith.constant 0 : index
    %get3A_10 = vector.load %arg1[%get3A_8, %get3A_9] : memref<632x128xf32, #tpu.memory_space<vmem>>, vector<632x128xf32>
    %add3A_11 = arith.addf %add3A, %get3A_10 : vector<632x128xf32>
    %mul3A = arith.mulf %get3A_1, %add3A_11 : vector<632x128xf32>
    %get3A_12 = arith.constant 0 : index
    %get3A_13 = arith.constant 0 : index
    %get3A_14 = vector.load %arg3[%get3A_12, %get3A_13] : memref<1x128xf32, #tpu.memory_space<vmem>>, vector<1x128xf32>
    %add3A_15 = vector.broadcast %get3A_14 : vector<1x128xf32> to vector<632x128xf32>
    %add3A_16 = arith.addf %mul3A, %add3A_15 : vector<632x128xf32>
    %iota3A = tpu.iota {dimensions = array<i32: 1>} : vector<632x128xi32>
    %jit3A = arith.constant 8 : i32
    %eq3A = arith.constant 0 : i32
    %eq3A_17 = arith.cmpi eq, %jit3A, %eq3A : i32
    %jit3A_18 = arith.constant 1 : i32
    %select_n3A = arith.select %eq3A_17, %jit3A_18, %jit3A : i32
    %rem3A = vector.broadcast %select_n3A : i32 to vector<632x128xi32>
    %rem3A_19 = arith.remsi %iota3A, %rem3A : vector<632x128xi32>
    %ne3A = arith.constant 0 : i32
    %ne3A_20 = vector.broadcast %ne3A : i32 to vector<632x128xi32>
    %ne3A_21 = arith.cmpi ne, %rem3A_19, %ne3A_20 : vector<632x128xi32>
    %lt3A = arith.constant 0 : i32
    %lt3A_22 = vector.broadcast %lt3A : i32 to vector<632x128xi32>
    %lt3A_23 = arith.cmpi slt, %rem3A_19, %lt3A_22 : vector<632x128xi32>
    %lt3A_24 = arith.constant 0 : i32
    %lt3A_25 = arith.cmpi slt, %select_n3A, %lt3A_24 : i32
    %ne3A_26 = vector.broadcast %lt3A_25 : i1 to vector<632x128xi1>
    %ne3A_27 = vector.broadcast %ne3A_26 : vector<632x128xi1> to vector<632x128xi1>
    %ne3A_28 = arith.xori %lt3A_23, %ne3A_27 : vector<632x128xi1>
    %and3A = arith.andi %ne3A_28, %ne3A_21 : vector<632x128xi1>
    %add3A_29 = vector.broadcast %select_n3A : i32 to vector<632x128xi32>
    %add3A_30 = arith.addi %rem3A_19, %add3A_29 : vector<632x128xi32>
    %select_n3A_31 = arith.select %and3A, %add3A_30, %rem3A_19 : vector<632x128xi1>, vector<632x128xi32>
    %eq3A_32 = arith.constant 0 : i32
    %eq3A_33 = vector.broadcast %eq3A_32 : i32 to vector<632x128xi32>
    %eq3A_34 = arith.cmpi eq, %select_n3A_31, %eq3A_33 : vector<632x128xi32>
    %slice3A = vector.extract_strided_slice %add3A_16 {offsets = [0, 1], sizes = [632, 127], strides = [1, 1]} : vector<632x128xf32> to vector<632x127xf32>
    %slice3A_35 = vector.extract_strided_slice %add3A_16 {offsets = [0, 0], sizes = [632, 1], strides = [1, 1]} : vector<632x128xf32> to vector<632x1xf32>
    %concatenate3A = tpu.concatenate %slice3A, %slice3A_35 in 1 : vector<632x127xf32>, vector<632x1xf32> -> vector<632x128xf32>
    %slice3A_36 = vector.extract_strided_slice %add3A_16 {offsets = [0, 127], sizes = [632, 1], strides = [1, 1]} : vector<632x128xf32> to vector<632x1xf32>
    %slice3A_37 = vector.extract_strided_slice %add3A_16 {offsets = [0, 0], sizes = [632, 127], strides = [1, 1]} : vector<632x128xf32> to vector<632x127xf32>
    %concatenate3A_38 = tpu.concatenate %slice3A_36, %slice3A_37 in 1 : vector<632x1xf32>, vector<632x127xf32> -> vector<632x128xf32>
    %select_n3A_39 = arith.select %eq3A_34, %concatenate3A, %concatenate3A_38 : vector<632x128xi1>, vector<632x128xf32>
    %max3A = arith.maximumf %add3A_16, %select_n3A_39 : vector<632x128xf32>
    %sub3A = arith.subf %add3A_16, %max3A : vector<632x128xf32>
    %sub3A_40 = arith.subf %add3A_16, %max3A : vector<632x128xf32>
    %exp3A = math.exp %sub3A_40 : vector<632x128xf32>
    %sub3A_41 = arith.subf %select_n3A_39, %max3A : vector<632x128xf32>
    %exp3A_42 = math.exp %sub3A_41 : vector<632x128xf32>
    %add3A_43 = arith.addf %exp3A, %exp3A_42 : vector<632x128xf32>
    %log3A = math.log %add3A_43 : vector<632x128xf32>
    %sub3A_44 = arith.subf %sub3A, %log3A : vector<632x128xf32>
    %swap3A = arith.constant 0 : index
    %swap3A_45 = arith.constant 0 : index
    %swap3A_46 = vector.load %arg4[%swap3A, %swap3A_45] : memref<632x128xf32, #tpu.memory_space<vmem>>, vector<632x128xf32>
    tpu.vector_store %arg4[%swap3A, %swap3A_45], %sub3A_44 {strides = array<i32>} : memref<632x128xf32, #tpu.memory_space<vmem>>, vector<632x128xf32>,
    return
  }
}

</mosaic_0001>

<sc_bundles>
// kernel: kernel.11.cloned.1.call-start
scs
__scs_entry_jumppad:
0x0: {  	(pc) =	sbr.rel $0x88, $3  }
0x1: {  	(tag) =	ssettag $0x0;
	lr =	simm.s32 $0x1  }
0x2: {  	[smem:$0x3F9B] =	sst lr;
	_ =	strace $0xD0000000  }
0x3: {  	_ = 	snop  }
0x4: {  	_ = 	snop  }
0x5: {  	_ = 	snop  }
0x6: {  	_ = 	snop  }
0x7: {  	_ = 	snop  }
__scs_overlays_trampoline_lowered:
0x8: {  	[smem:$0x3FAA] =	sst s0  }
0x9: {  	[smem:$0x3FAB] =	sst s1  }
0xa: {  	[smem:$0x3FAC] =	sst s2  }
0xb: {  	[smem:$0x3FAD] =	sst s3  }
0xc: {  	[smem:$0x3FAE] =	sst s4  }
0xd: {  	[smem:$0x3FAF] =	sst s5  }
0xe: {  	[smem:$0x3FB0] =	sst s6  }
0xf: {  	[smem:$0x3FB1] =	sst s7  }
0x10: {  	[smem:$0x3FB2] =	sst s8  }
0x11: {  	[smem:$0x3FB3] =	sst s9;
	s0 =	simm.s32 @!p0 $0x0  }
0x12: {  	s1 =	sld [smem:$0x3F99];
	s0 =	simm.s32 @p0 $0x1  }
0x13: {  	[smem:$0x3FB4] =	sst s0;
	s0 =	simm.s32 @!p1 $0x0  }
0x14: {  	s2 =	sld [smem:$0x3F98];
	s0 =	simm.s32 @p1 $0x1  }
0x15: {  	[smem:$0x3FB5] =	sst s0;
	s0 =	simm.s32 @!p2 $0x0  }
0x16: {  	s3 =	sld [smem:$0x3FDB];
	s0 =	simm.s32 @p2 $0x1  }
0x17: {  	s4 =	simm.s32 $0x1BF5;
	[smem:$0x3FB7] =	sst s0  }
0x18: {  	s0 =	sld [smem:$0x3F9A];
	_ =	swait.ge [sflag:s4], $0x0  }
0x19: {  	s7 =	sld [smem:$0x3F9B]  }
0x1a: {  	s8 =	sadd.s32 $0xFFFFE003, lr  }
0x1b: {  	s9 =	sadd.s32 $0xFFFFFEF7, lr;
	s5 =	simm.s32 $0xFFFFFFFF;
	p2 =	slt.u32 s8, $0xFFFFF086  }
0x1c: {  	p1 =	slt.u32 s9, $0xF7A;
	s5 =	simm.s32 @!p2 $0x0  }
0x1d: {  	s5 =	simm.s32 @p1 $0x1;
	p0 =	seq.s32 s7, s2  }
0x1e: {  	s7 =	smul.u32 @!p0 $0xF7A, s2;
	p2 =	seq.s32 @!p0 s5, $0x0  }
0x1f: {  	s9 =	smul.u32 $0xF7A, s1;
	s8 =	simm.s32 @!p0 $0x1BF5;
	p2 =	por !p2, p0  }
0x20: {  	[sflag:s8] =	ssyncset.s32 @!p0 $0xFFFFF086;
	s6 =	sadd.s32 @!p0 s3, s7;
	s7 =	simm.s32 @!p0 $0x108  }
0x21: {  	s3 =	sadd.s32 s3, s9;
	s6 =	sadd.s32 @!p0 $0x88, s6;
	s7 =	simm.s32 @p2 $0x1082  }
0x22: {  	[simem:s7], [sflag:s8] =	dma.local @!p0 [hbm:s6], $0xF7A  }
0x23: {  	s9 =	sor.u32 $0xD0000000, s2;
	s6 =	simm.s32 $0x108;
	_ =	swait.ge @!p0 [sflag:s8], $0x0  }
0x24: {  	s3 =	sadd.s32 $0x88, s3;
	s6 =	simm.s32 @!p1 $0x1082;
	[sflag:s4] =	ssyncset.s32 $0xFFFFF086  }
0x25: {  	[simem:s6], [sflag:s4] =	dma.local [hbm:s3], $0xF7A  }
0x26: {  	[smem:$0x3F9B] =	sst s1;
	(tag) =	ssettag s2;
	_ =	strace s9  }
0x27: {  	s1 =	sld [smem:$0x3FAB]  }
0x28: {  	s2 =	sld [smem:$0x3FAC]  }
0x29: {  	s4 =	sld [smem:$0x3FAE]  }
0x2a: {  	p0 =	seq.s32 s5, $0x0;
	s5 =	sld [smem:$0x3FAF]  }
0x2b: {  	s6 =	sld [smem:$0x3FB0]  }
0x2c: {  	s7 =	sld [smem:$0x3FB1]  }
0x2d: {  	s3 =	simm.s32 $0x108;
	s8 =	sld [smem:$0x3FB2]  }
0x2e: {  	s3 =	simm.s32 @!p0 $0x1082;
	s9 =	sld [smem:$0x3FB3]  }
0x2f: {  	lr =	sadd.s32 s0, s3;
	s0 =	sld [smem:$0x3FAA]  }
0x30: {  	s3 =	sld [smem:$0x3FAD]  }
0x31: {  	[smem:$0x3FB6] =	sst s10  }
0x32: {  	s10 =	sld [smem:$0x3FB4];
	_ =	sdelay $0x3  }
0x33: {  	p0 =	seq.s32 s10, $0x1;
	s10 =	sld [smem:$0x3FB6];
	_ =	sdelay $0x3  }
0x34: {  	[smem:$0x3FB6] =	sst s10  }
0x35: {  	s10 =	sld [smem:$0x3FB5];
	_ =	sdelay $0x3  }
0x36: {  	p1 =	seq.s32 s10, $0x1;
	s10 =	sld [smem:$0x3FB6];
	_ =	sdelay $0x3  }
0x37: {  	[smem:$0x3FB6] =	sst s10  }
0x38: {  	s10 =	sld [smem:$0x3FB7]  }
0x39: {  	_ = 	snop;
	(pc) =	sbr.ind lr, $3  }
0x3a: {  	_ = 	snop  }
0x3b: {  	_ = 	snop  }
0x3c: {  	p2 =	seq.s32 s10, $0x1;
	s10 =	sld [smem:$0x3FB6]  }
0x3d: {  	_ =	shalt  }
0x3e: {  	_ =	shalt  }
0x3f: {  	_ =	shalt  }
0x40: {  	_ =	shalt  }
0x41: {  	_ =	shalt  }
0x42: {  	_ =	shalt  }
0x43: {  	_ =	shalt  }
0x44: {  	_ =	shalt  }
0x45: {  	_ =	shalt  }
0x46: {  	_ =	shalt  }
0x47: {  	_ =	shalt  }
0x48: {  	_ =	shalt  }
0x49: {  	_ =	shalt  }
0x4a: {  	_ =	shalt  }
0x4b: {  	_ =	shalt  }
0x4c: {  	_ =	shalt  }
0x4d: {  	_ =	shalt  }
0x4e: {  	_ =	shalt  }
0x4f: {  	_ =	shalt  }
0x50: {  	_ =	shalt  }
0x51: {  	_ =	shalt  }
0x52: {  	_ =	shalt  }
0x53: {  	_ =	shalt  }
0x54: {  	_ =	shalt  }
0x55: {  	_ =	shalt  }
0x56: {  	_ =	shalt  }
0x57: {  	_ =	shalt  }
0x58: {  	_ =	shalt  }
0x59: {  	_ =	shalt  }
0x5a: {  	_ =	shalt  }
0x5b: {  	_ =	shalt  }
0x5c: {  	_ =	shalt  }
0x5d: {  	_ =	shalt  }
0x5e: {  	_ =	shalt  }
0x5f: {  	_ =	shalt  }
0x60: {  	_ =	shalt  }
0x61: {  	_ =	shalt  }
0x62: {  	_ =	shalt  }
0x63: {  	_ =	shalt  }
0x64: {  	_ =	shalt  }
0x65: {  	_ =	shalt  }
0x66: {  	_ =	shalt  }
0x67: {  	_ =	shalt  }
0x68: {  	_ =	shalt  }
0x69: {  	_ =	shalt  }
0x6a: {  	_ =	shalt  }
0x6b: {  	_ =	shalt  }
0x6c: {  	_ =	shalt  }
0x6d: {  	_ =	shalt  }
0x6e: {  	_ =	shalt  }
0x6f: {  	_ =	shalt  }
0x70: {  	_ =	shalt  }
0x71: {  	_ =	shalt  }
0x72: {  	_ =	shalt  }
0x73: {  	_ =	shalt  }
0x74: {  	_ =	shalt  }
0x75: {  	_ =	shalt  }
0x76: {  	_ =	shalt  }
0x77: {  	_ =	shalt  }
0x78: {  	_ =	shalt  }
0x79: {  	_ =	shalt  }
0x7a: {  	_ =	shalt  }
0x7b: {  	_ =	shalt  }
0x7c: {  	_ =	shalt  }
0x7d: {  	_ =	shalt  }
0x7e: {  	_ =	shalt  }
0x7f: {  	_ =	shalt  }
0x80: {  	_ =	shalt  }
0x81: {  	_ =	shalt  }
0x82: {  	_ =	shalt  }
0x83: {  	_ =	shalt  }
0x84: {  	_ =	shalt  }
0x85: {  	_ =	shalt  }
0x86: {  	_ =	shalt  }
0x87: {  	_ =	shalt  }
.Lfunc_end0:
.L_simem_size_0:
called_computation.1_lowered:
.L_overlay_start_0:
0x88: {  	s2 =	sld [smem:$0x3FD9]  }
0x89: {  	s3 =	sld [smem:$0x3FFE];
	_ =	sdelay $0x1  }
0x8a: {  	s1 =	srdreg.scid  }
0x8b: {  	s0 =	sand.u32 $0x1, s1  }
0x8c: {  	s17 =	sshll.u32 s0, $0xA;
	s2 =	sadd.s32 s3, s2  }
0x8d: {  	s2 =	sadd.s32 s2, s17  }
0x8e: {  	[smem:$0x3FC2] =	sst s2  }
0x8f: {  	_ = 	snop  }
0x90: {  	s2 =	sld [smem:$0x3FD0];
	(tm) =	ssettm $0x1  }
0x91: {  	s18 =	sld [smem:$0x3FFB];
	_ =	sdelay $0x3  }
0x92: {  	_ =	strace s18  }
0x93: {  	s3 =	sld [smem:$0x3FFC];
	_ =	sdelay $0x3  }
0x94: {  	_ =	strace s3  }
0x95: {  	s3 =	sld [smem:$0x3FFD];
	_ =	sdelay $0x3  }
0x96: {  	_ =	strace s3  }
0x97: {  	_ =	strace $0x8FFFFFFF  }
0x98: {  	s19 =	sld [smem:$0x3FDB];
	_ =	sdelay $0x1  }
0x99: {  	s4 =	simm.s32 $_scs_section_size  }
0x9a: {  	s5 =	simm.s32 $_size__tile_overlayer_lowered;
	s6 =	simm.s32 $_tile_overlayer_lowered  }
0x9b: {  	s22 =	simm.s32 $0x1BFF;
	s21 =	sshll.u32 s6, $0x1;
	s3 =	sadd.s32 s4, s19  }
0x9c: {  	s7 =	simm.s32 $0x0;
	s20 =	sshll.u32 s5, $0x1;
	s5 =	sadd.s32 s21, s3  }
0x9d: {  	[timem:s7], [sflag:s22] =	dma.local [hbm:s5], s20  }
0x9e: {  	_ =	swait.ge [sflag:s22], s20  }
0x9f: {  	s4 =	ssub.s32 $0x0, s20;
	[sflag:s22] =	ssyncset.done $0x0  }
0xa0: {  	[sflag:s22] =	ssyncadd.s32 s4;
	_ =	sdelay $0x1  }
0xa1: {  	s23 =	simm.s32 $0x1B8B  }
0xa2: {  	_ =	swait.ge [sflag:s23], $0x1  }
0xa3: {  	[sflag:s23] =	ssyncset.done $0x0  }
0xa4: {  	s25 =	simm.s32 $0x1B8E;
	s24 =	sld [smem:$0x3FFE];
	[sflag:s23] =	ssyncadd.s32 $0xFFFFFFFF  }
0xa5: {  	s26 =	simm.s32 $execute0_lowered;
	[smem:$0x3FD2] =	sst s25  }
0xa6: {  	s5 =	sshll.u32 s26, $0x1;
	_ =	strace $0x80000049;
	[dreg:$0x1] =	wrdreg $0xFFFFFFFF  }
0xa7: {  	s28 =	simm.s32 $_size_execute0_lowered;
	s3 =	sadd.s32 s3, s5;
	[dreg:$0x0] =	wrdreg $0x0  }
0xa8: {  	s5 =	sshll.u32 s28, $0x1;
	[dreg:$0x2] =	wrdreg s3  }
0xa9: {  	[dreg:$0x3] =	wrdreg s5  }
0xaa: {  	[dreg:$0x4] =	wrdreg $0xC0  }
0xab: {  	_ =	task [dreg:s7], $0x5FFFF  }
0xac: {  	[dreg:$0x1] =	wrdreg $0xFFFFFFFF  }
0xad: {  	[dreg:$0x0] =	wrdreg $0x60  }
0xae: {  	[dreg:$0x2] =	wrdreg s24  }
0xaf: {  	[dreg:$0x3] =	wrdreg s2  }
0xb0: {  	[dreg:$0x4] =	wrdreg $0x0  }
0xb1: {  	[dreg:$0x5] =	wrdreg $0x13C00  }
0xb2: {  	[dreg:$0x6] =	wrdreg $0x9  }
0xb3: {  	_ =	task.clear_ibuf [dreg:s7], $0x7FFFF;
	_ =	strace $0x90000049  }
0xb4: {  	s29 =	simm.s32 $0x9;
	_ =	strace $0x8000004B  }
0xb5: {  	_ =	swait.ge [sflag:s29], $0x1  }
0xb6: {  	[sflag:s29] =	ssyncadd.s32 $0xFFFFFFFF  }
0xb7: {  	_ =	strace $0x9000004B  }
0xb8: {  	_ =	sfence  }
0xb9: {  	s30 =	sld [smem:$0x0];
	_ =	sdelay $0x2  }
0xba: {  	s31 =	sshll.u32 s1, $0xD;
	s1 =	sshrl.u32 s1, $0x2  }
0xbb: {  	s3 =	sand.u32 $0x4000, s31;
	s1 =	sadd.s32 s1, s30  }
0xbc: {  	s0 =	sor.u32 s3, s0;
	s1 =	sshll.u32 s1, $0x11  }
0xbd: {  	s0 =	sor.u32 s1, s0  }
0xbe: {  	s0 =	sadd.s32 $0x8F2B, s0  }
0xbf: {  	[sflag:s0] =	ssyncadd.remote.s32 $0x1  }
0xc0: {  	_ =	sfence.sel $0xFFFF  }
0xc1: {  	[dreg:$0x0] =	wrdreg $0xFFFFFFFF;
	(pc) =	sbr.abs _section_cstart, $3  }
0xc2: {  	[dreg:$0x1] =	wrdreg $0xFFFFFFFF  }
0xc3: {  	_ =	task.clear_ibuf [dreg:s7], $0x2FFFF;
	_ =	strace $0x9FFFFFFF  }
0xc4: {  	(tm) =	ssettm $0x7FFFFFFF  }
0xc5: {  	_ =	shalt  }
tec
execute0_lowered:
.L_overlay_start_1:
0x0: {  	(tag) =	ssettag $0x1  }
0x1: {  	s6 =	rddreg [dreg:$0x0]  }
0x2: {  	s2 =	rddreg [dreg:$0x1]  }
0x3: {  	s3 =	rddreg [dreg:$0x2]  }
0x4: {  	s4 =	rddreg [dreg:$0x3]  }
0x5: {  	s0 =	rddreg [dreg:$0x4];
	s1 =	stileid.u32  }
0x6: {  	s7 =	srdreg.scid;
	s5 =	simm.s32 $0x0;
	s13 =	simm.s32 $0x3  }
0x7: {  	s14 =	simm.s32 $0x2710;
	s15 =	simm.s32 $0x4E200;
	s16 =	simm.s32 $0x2780  }
0x8: {  	s17 =	simm.s32 $0x50;
	s18 =	simm.s32 $0x75A0;
	s19 =	simm.s32 $0x7820  }
0x9: {  	s20 =	simm.s32 $0x7AA0;
	s21 =	simm.s32 $0x7D20;
	s22 =	simm.s32 $0x7FA0  }
0xa: {  	s23 =	simm.s32 $0x1;
	s24 =	simm.s32 $0x2;
	s25 =	simm.s32 $0x0  }
0xb: {  	s8 =	smul.u32 $0x13C0, s1;
	s7 =	sand.u32 $0x1, s7;
	[smem:$0x7FF] =	sst s5  }
0xc: {  	s9 =	sshll.u32 s1, $0x1;
	s10 =	smul.u32 $0x13C00, s7;
	_ =	strace $0x8000004A  }
0xd: {  	s9 =	sor.u32 s7, s9;
	s7 =	ssub.s32 $0x2, s7;
	s11 =	sshrl.u32 s8, $0x3  }
0xe: {  	s9 =	smul.u32 $0x4E2, s9;
	s31 =	sshrl.u32 s7, $0x1;
	s10 =	sadd.s32 s8, s10  }
0xf: {  	s11 =	sadd.s32 s11, s6;
	s12 =	ssub.s32 s7, s31;
	s10 =	sshrl.u32 s10, $0x3  }
0x10: {  	s9 =	sadd.s32 s9, s6;
	s7 =	sadd.s32 $0x16600, s11;
	s11 =	smax.u32 s12, $0x1  }
0x11: {  	s12 =	simm.s32 $0x8220;
	s10 =	sadd.s32 s10, s6;
	s6 =	sadd.s32 s8, s3  }
0x12: {  	s8 =	sadd.s32 s8, s4;
	s9 =	sadd.s32 $0x2C00, s9;
	s10 =	sadd.s32 $0x18E00, s10  }
.LBB2_1:
0x13: {  	[tilespmem:s12], [sflag:$0x3] =	stream.linear.gather [hbm4b:s2+s5], $0x13C0, $0x38;
	[tilespmem:$0x95E0] =	vst v63  }
0x14: {  	_ =	swait.ge [sflag:s13], $0x13C0  }
0x15: {  	[sflag:s13] =	ssyncset.done $0x0  }
0x16: {  	[sflag:s13] =	ssyncadd.s32 $0xFFFFEC40  }
0x17: {  	[spmem:s6] =	stream.linear.scatter [tilespmem:s12], [sflag:$0x3], $0x13C0, $0x38;
	[tilespmem:$0x95E0] =	vst v63  }
0x18: {  	_ =	swait.ge [sflag:s13], $0x13C0  }
0x19: {  	[sflag:s13] =	ssyncset.done $0x0  }
0x1a: {  	[sflag:s13] =	ssyncadd.s32 $0xFFFFEC40  }
0x1b: {  	[tilespmem:s12], [sflag:$0x3] =	stream.linear.gather [hbm4b:s7+s5], $0x13C0, $0x38;
	[tilespmem:$0x95E0] =	vst v63  }
0x1c: {  	_ =	swait.ge [sflag:s13], $0x13C0  }
0x1d: {  	[sflag:s13] =	ssyncset.done $0x0  }
0x1e: {  	[sflag:s13] =	ssyncadd.s32 $0xFFFFEC40  }
0x1f: {  	[spmem:s8] =	stream.linear.scatter [tilespmem:s12], [sflag:$0x3], $0x13C0, $0x38;
	[tilespmem:$0x95E0] =	vst v63  }
0x20: {  	_ =	swait.ge [sflag:s13], $0x13C0  }
0x21: {  	[sflag:s13] =	ssyncset.done $0x0  }
0x22: {  	[sflag:s13] =	ssyncadd.s32 $0xFFFFEC40  }
0x23: {  	[tilespmem:s16], [sflag:$0x3] =	stream.strided.gather [hbm4b:s9+s14], $0x4E20, s15, s14, $0x38;
	[tilespmem:$0x95E0] =	vst v63  }
0x24: {  	_ =	swait.ge [sflag:s13], $0x4E20  }
0x25: {  	[sflag:s13] =	ssyncset.done $0x0  }
0x26: {  	[sflag:s13] =	ssyncadd.s32 $0xFFFFB1E0  }
0x27: {  	s26 =	simm.s32 $0x2780;
	[bflag:$0x0] =	sbarrier.arrive $0xFFFF  }
0x28: {  	[tilespmem:s18], [sflag:$0x1] =	stream.indirect.gather [spmem:s4], $0x8, s26, s17, $0xb8;
	[tilespmem:$0x95E0] =	vst v63  }
0x29: {  	s28 =	simm.s32 $0x27D0  }
0x2a: {  	[tilespmem:s19], [sflag:$0x1] =	stream.indirect.gather [spmem:s4], $0x8, s28, s17, $0xb8;
	[tilespmem:$0x95E0] =	vst v63  }
0x2b: {  	s29 =	simm.s32 $0x2820  }
0x2c: {  	[tilespmem:s20], [sflag:$0x1] =	stream.indirect.gather [spmem:s4], $0x8, s29, s17, $0xb8;
	[tilespmem:$0x95E0] =	vst v63  }
0x2d: {  	s31 =	simm.s32 $0x2870  }
0x2e: {  	[tilespmem:s21], [sflag:$0x1] =	stream.indirect.gather [spmem:s4], $0x8, s31, s17, $0xb8;
	[tilespmem:$0x95E0] =	vst v63  }
0x2f: {  	s28 =	simm.s32 $0x28C0  }
0x30: {  	[tilespmem:s22], [sflag:$0x1] =	stream.indirect.gather [spmem:s4], $0x8, s28, s17, $0xb8;
	[tilespmem:$0x95E0] =	vst v63  }
0x31: {  	_ =	swait.ge [sflag:s23], $0x280  }
0x32: {  	[sflag:s23] =	ssyncset.done $0x0  }
0x33: {  	s29 =	simm.s32 $0x4E90;
	[sflag:s23] =	ssyncadd.s32 $0xFFFFFD80  }
0x34: {  	[spmem:s3] =	stream.indirect.scatter.add.f32 [tilespmem:s18], [sflag:$0x2], $0x8, s29, s17, $0xb8;
	[tilespmem:$0x95E0] =	vst v63  }
0x35: {  	_ =	swait.ge [sflag:s23], $0x280  }
0x36: {  	[sflag:s23] =	ssyncset.done $0x0  }
0x37: {  	s31 =	simm.s32 $0x4EE0;
	[sflag:s23] =	ssyncadd.s32 $0xFFFFFD80  }
0x38: {  	[spmem:s3] =	stream.indirect.scatter.add.f32 [tilespmem:s19], [sflag:$0x2], $0x8, s31, s17, $0xb8;
	[tilespmem:$0x95E0] =	vst v63  }
0x39: {  	_ =	swait.ge [sflag:s23], $0x280  }
0x3a: {  	[sflag:s23] =	ssyncset.done $0x0  }
0x3b: {  	s28 =	simm.s32 $0x4F30;
	[sflag:s23] =	ssyncadd.s32 $0xFFFFFD80  }
0x3c: {  	[spmem:s3] =	stream.indirect.scatter.add.f32 [tilespmem:s20], [sflag:$0x2], $0x8, s28, s17, $0xb8;
	[tilespmem:$0x95E0] =	vst v63  }
0x3d: {  	_ =	swait.ge [sflag:s23], $0x280  }
0x3e: {  	[sflag:s23] =	ssyncset.done $0x0  }
0x3f: {  	s29 =	simm.s32 $0x4F80;
	[sflag:s23] =	ssyncadd.s32 $0xFFFFFD80  }
0x40: {  	[spmem:s3] =	stream.indirect.scatter.add.f32 [tilespmem:s21], [sflag:$0x2], $0x8, s29, s17, $0xb8;
	[tilespmem:$0x95E0] =	vst v63  }
0x41: {  	_ =	swait.ge [sflag:s23], $0x280  }
0x42: {  	[sflag:s23] =	ssyncset.done $0x0  }
0x43: {  	s31 =	simm.s32 $0x4FD0;
	[sflag:s23] =	ssyncadd.s32 $0xFFFFFD80  }
0x44: {  	[spmem:s3] =	stream.indirect.scatter.add.f32 [tilespmem:s22], [sflag:$0x2], $0x8, s31, s17, $0xb8;
	[tilespmem:$0x95E0] =	vst v63  }
0x45: {  	_ =	swait.ge [sflag:s24], $0x280  }
0x46: {  	[sflag:s24] =	ssyncset.done $0x0  }
0x47: {  	[sflag:s24] =	ssyncadd.s32 $0xFFFFFD80  }
0x48: {  	_ =	swait.ge [sflag:s24], $0x280  }
0x49: {  	[sflag:s24] =	ssyncset.done $0x0  }
0x4a: {  	[sflag:s24] =	ssyncadd.s32 $0xFFFFFD80  }
0x4b: {  	_ =	swait.ge [sflag:s24], $0x280  }
0x4c: {  	[sflag:s24] =	ssyncset.done $0x0  }
0x4d: {  	[sflag:s24] =	ssyncadd.s32 $0xFFFFFD80  }
0x4e: {  	_ =	swait.ge [sflag:s24], $0x280  }
0x4f: {  	[sflag:s24] =	ssyncset.done $0x0  }
0x50: {  	[sflag:s24] =	ssyncadd.s32 $0xFFFFFD80  }
0x51: {  	_ =	swait.ge [sflag:s24], $0x280  }
0x52: {  	s30 =	simm.s32 $0xC80;
	s26 =	simm.s32 $0x190;
	[sflag:s24] =	ssyncset.done $0x0  }
.LBB2_2:
0x53: {  	s31 =	sadd.s32 $0x2780, s26  }
0x54: {  	[sflag:s24] =	ssyncadd.s32 $0xFFFFFD80;
	s29 =	smov.u32 s30;
	s28 =	sadd.s32 $0x640, s30  }
0x55: {  	[tilespmem:s18], [sflag:$0x1] =	stream.indirect.gather [spmem:s4], $0x8, s31, s17, $0xb8;
	[tilespmem:$0x95E0] =	vst v63  }
0x56: {  	p0 =	sne.s32 s30, $0x9600;
	s30 =	sadd.s32 $0x27D0, s26  }
0x57: {  	[tilespmem:s19], [sflag:$0x1] =	stream.indirect.gather [spmem:s4], $0x8, s30, s17, $0xb8;
	[tilespmem:$0x95E0] =	vst v63  }
0x58: {  	s30 =	sadd.s32 $0x2820, s26  }
0x59: {  	[tilespmem:s20], [sflag:$0x1] =	stream.indirect.gather [spmem:s4], $0x8, s30, s17, $0xb8;
	[tilespmem:$0x95E0] =	vst v63  }
0x5a: {  	s30 =	sadd.s32 $0x2870, s26  }
0x5b: {  	[tilespmem:s21], [sflag:$0x1] =	stream.indirect.gather [spmem:s4], $0x8, s30, s17, $0xb8;
	[tilespmem:$0x95E0] =	vst v63  }
0x5c: {  	s30 =	sadd.s32 $0x28C0, s26  }
0x5d: {  	[tilespmem:s22], [sflag:$0x1] =	stream.indirect.gather [spmem:s4], $0x8, s30, s17, $0xb8;
	[tilespmem:$0x95E0] =	vst v63  }
0x5e: {  	_ =	swait.ge [sflag:s23], $0x280  }
0x5f: {  	[sflag:s23] =	ssyncset.done $0x0  }
0x60: {  	s30 =	sadd.s32 $0x4E90, s26;
	[sflag:s23] =	ssyncadd.s32 $0xFFFFFD80  }
0x61: {  	[spmem:s3] =	stream.indirect.scatter.add.f32 [tilespmem:s18], [sflag:$0x2], $0x8, s30, s17, $0xb8;
	[tilespmem:$0x95E0] =	vst v63  }
0x62: {  	_ =	swait.ge [sflag:s23], $0x280  }
0x63: {  	[sflag:s23] =	ssyncset.done $0x0  }
0x64: {  	s30 =	sadd.s32 $0x4EE0, s26;
	[sflag:s23] =	ssyncadd.s32 $0xFFFFFD80  }
0x65: {  	[spmem:s3] =	stream.indirect.scatter.add.f32 [tilespmem:s19], [sflag:$0x2], $0x8, s30, s17, $0xb8;
	[tilespmem:$0x95E0] =	vst v63  }
0x66: {  	_ =	swait.ge [sflag:s23], $0x280  }
0x67: {  	[sflag:s23] =	ssyncset.done $0x0  }
0x68: {  	s30 =	sadd.s32 $0x4F30, s26;
	[sflag:s23] =	ssyncadd.s32 $0xFFFFFD80  }
0x69: {  	[spmem:s3] =	stream.indirect.scatter.add.f32 [tilespmem:s20], [sflag:$0x2], $0x8, s30, s17, $0xb8;
	[tilespmem:$0x95E0] =	vst v63  }
0x6a: {  	_ =	swait.ge [sflag:s23], $0x280  }
0x6b: {  	[sflag:s23] =	ssyncset.done $0x0  }
0x6c: {  	s30 =	sadd.s32 $0x4F80, s26;
	[sflag:s23] =	ssyncadd.s32 $0xFFFFFD80  }
0x6d: {  	[spmem:s3] =	stream.indirect.scatter.add.f32 [tilespmem:s21], [sflag:$0x2], $0x8, s30, s17, $0xb8;
	[tilespmem:$0x95E0] =	vst v63  }
0x6e: {  	_ =	swait.ge [sflag:s23], $0x280  }
0x6f: {  	[sflag:s23] =	ssyncset.done $0x0  }
0x70: {  	s26 =	sadd.s32 $0x4FD0, s26;
	[sflag:s23] =	ssyncadd.s32 $0xFFFFFD80  }
0x71: {  	[spmem:s3] =	stream.indirect.scatter.add.f32 [tilespmem:s22], [sflag:$0x2], $0x8, s26, s17, $0xb8;
	[tilespmem:$0x95E0] =	vst v63  }
0x72: {  	_ =	swait.ge [sflag:s24], $0x280  }
0x73: {  	[sflag:s24] =	ssyncset.done $0x0  }
0x74: {  	[sflag:s24] =	ssyncadd.s32 $0xFFFFFD80  }
0x75: {  	_ =	swait.ge [sflag:s24], $0x280  }
0x76: {  	[sflag:s24] =	ssyncset.done $0x0  }
0x77: {  	[sflag:s24] =	ssyncadd.s32 $0xFFFFFD80  }
0x78: {  	_ =	swait.ge [sflag:s24], $0x280  }
0x79: {  	[sflag:s24] =	ssyncset.done $0x0  }
0x7a: {  	[sflag:s24] =	ssyncadd.s32 $0xFFFFFD80  }
.Ltmp0:
0x7b: {  	_ =	swait.ge [sflag:s24], $0x280;
	(pc) =	sbr.rel @p0 .LBB2_2-.Ltmp0, $4  }
0x7c: {  	[sflag:s24] =	ssyncset.done $0x0  }
0x7d: {  	[sflag:s24] =	ssyncadd.s32 $0xFFFFFD80  }
0x7e: {  	_ =	swait.ge [sflag:s24], $0x280  }
0x7f: {  	s30 =	smov.u32 s28;
	s26 =	sshra.s32 s29, $0x2;
	[sflag:s24] =	ssyncset.done $0x0  }
0x80: {  	s28 =	sadd.s32 $0x2780, s26;
	[sflag:s24] =	ssyncadd.s32 $0xFFFFFD80  }
0x81: {  	[tilespmem:s18], [sflag:$0x1] =	stream.indirect.gather [spmem:s4], $0x8, s28, s17, $0xb8;
	[tilespmem:$0x95E0] =	vst v63  }
0x82: {  	s29 =	sadd.s32 $0x27D0, s26  }
0x83: {  	[tilespmem:s19], [sflag:$0x1] =	stream.indirect.gather [spmem:s4], $0x8, s29, s17, $0xb8;
	[tilespmem:$0x95E0] =	vst v63  }
0x84: {  	s30 =	sadd.s32 $0x2820, s26  }
0x85: {  	[tilespmem:s20], [sflag:$0x1] =	stream.indirect.gather [spmem:s4], $0x8, s30, s17, $0xb8;
	[tilespmem:$0x95E0] =	vst v63  }
0x86: {  	s31 =	sadd.s32 $0x2870, s26  }
0x87: {  	[tilespmem:s21], [sflag:$0x1] =	stream.indirect.gather [spmem:s4], $0x8, s31, s17, $0xb8;
	[tilespmem:$0x95E0] =	vst v63  }
0x88: {  	s29 =	sadd.s32 $0x28C0, s26  }
0x89: {  	[tilespmem:s22], [sflag:$0x1] =	stream.indirect.gather [spmem:s4], $0x8, s29, s17, $0xb8;
	[tilespmem:$0x95E0] =	vst v63  }
0x8a: {  	_ =	swait.ge [sflag:s23], $0x280  }
0x8b: {  	[sflag:s23] =	ssyncset.done $0x0  }
0x8c: {  	s30 =	sadd.s32 $0x4E90, s26;
	[sflag:s23] =	ssyncadd.s32 $0xFFFFFD80  }
0x8d: {  	[spmem:s3] =	stream.indirect.scatter.add.f32 [tilespmem:s18], [sflag:$0x2], $0x8, s30, s17, $0xb8;
	[tilespmem:$0x95E0] =	vst v63  }
0x8e: {  	_ =	swait.ge [sflag:s23], $0x280  }
0x8f: {  	[sflag:s23] =	ssyncset.done $0x0  }
0x90: {  	s31 =	sadd.s32 $0x4EE0, s26;
	[sflag:s23] =	ssyncadd.s32 $0xFFFFFD80  }
0x91: {  	[spmem:s3] =	stream.indirect.scatter.add.f32 [tilespmem:s19], [sflag:$0x2], $0x8, s31, s17, $0xb8;
	[tilespmem:$0x95E0] =	vst v63  }
0x92: {  	_ =	swait.ge [sflag:s23], $0x280  }
0x93: {  	[sflag:s23] =	ssyncset.done $0x0  }
0x94: {  	s29 =	sadd.s32 $0x4F30, s26;
	[sflag:s23] =	ssyncadd.s32 $0xFFFFFD80  }
0x95: {  	[spmem:s3] =	stream.indirect.scatter.add.f32 [tilespmem:s20], [sflag:$0x2], $0x8, s29, s17, $0xb8;
	[tilespmem:$0x95E0] =	vst v63  }
0x96: {  	_ =	swait.ge [sflag:s23], $0x280  }
0x97: {  	[sflag:s23] =	ssyncset.done $0x0  }
0x98: {  	s30 =	sadd.s32 $0x4F80, s26;
	[sflag:s23] =	ssyncadd.s32 $0xFFFFFD80  }
0x99: {  	[spmem:s3] =	stream.indirect.scatter.add.f32 [tilespmem:s21], [sflag:$0x2], $0x8, s30, s17, $0xb8;
	[tilespmem:$0x95E0] =	vst v63  }
0x9a: {  	_ =	swait.ge [sflag:s23], $0x280  }
0x9b: {  	[sflag:s23] =	ssyncset.done $0x0  }
0x9c: {  	s31 =	sadd.s32 $0x4FD0, s26;
	[sflag:s23] =	ssyncadd.s32 $0xFFFFFD80  }
0x9d: {  	[spmem:s3] =	stream.indirect.scatter.add.f32 [tilespmem:s22], [sflag:$0x2], $0x8, s31, s17, $0xb8;
	[tilespmem:$0x95E0] =	vst v63  }
0x9e: {  	_ =	swait.ge [sflag:s24], $0x280  }
0x9f: {  	[sflag:s24] =	ssyncset.done $0x0  }
0xa0: {  	[sflag:s24] =	ssyncadd.s32 $0xFFFFFD80  }
0xa1: {  	_ =	swait.ge [sflag:s24], $0x280  }
0xa2: {  	[sflag:s24] =	ssyncset.done $0x0  }
0xa3: {  	[sflag:s24] =	ssyncadd.s32 $0xFFFFFD80  }
0xa4: {  	_ =	swait.ge [sflag:s24], $0x280  }
0xa5: {  	[sflag:s24] =	ssyncset.done $0x0  }
0xa6: {  	[sflag:s24] =	ssyncadd.s32 $0xFFFFFD80  }
0xa7: {  	_ =	swait.ge [sflag:s24], $0x280  }
0xa8: {  	[sflag:s24] =	ssyncset.done $0x0  }
0xa9: {  	[sflag:s24] =	ssyncadd.s32 $0xFFFFFD80  }
0xaa: {  	_ =	swait.ge [sflag:s24], $0x280  }
0xab: {  	[sflag:s24] =	ssyncset.done $0x0  }
0xac: {  	[sflag:s24] =	ssyncadd.s32 $0xFFFFFD80  }
0xad: {  	[bflag:$0x0] =	sbarrier.arrive $0xFFFF  }
0xae: {  	[tilespmem:s12], [sflag:$0x3] =	stream.linear.gather [spmem:s6], $0x13C0, $0x38;
	[tilespmem:$0x95E0] =	vst v63  }
0xaf: {  	s25 =	sadd.s32 $0x1, s25;
	_ =	swait.ge [sflag:s13], $0x13C0  }
0xb0: {  	p0 =	sne.s32 s25, s11;
	[sflag:s13] =	ssyncset.done $0x0  }
.Ltmp1:
0xb1: {  	[sflag:s13] =	ssyncadd.s32 $0xFFFFEC40;
	(pc) =	sbr.rel @p0 .LBB2_1-.Ltmp1, $4  }
0xb2: {  	[hbm4b:s10+s5] =	stream.linear.scatter [tilespmem:s12], [sflag:$0x3], $0x13C0, $0x38;
	[tilespmem:$0x95E0] =	vst v63  }
0xb3: {  	_ =	swait.ge [sflag:s13], $0x13C0  }
0xb4: {  	[sflag:s13] =	ssyncset.done $0x0  }
0xb5: {  	[sflag:s13] =	ssyncadd.s32 $0xFFFFEC40  }
0xb6: {  	_ =	sfence.sel $0x180000  }
0xb7: {  	[bflag:$0x0] =	sbarrier.arrive $0xFFFF  }
0xb8: {  	p0 =	sne.s32 s1, $0x0;
	_ =	strace $0x9000004A  }
0xb9: {  	s0 =	sadd.s32 @!p0 $0x100000, s0;
	[bflag:$0x2] =	sbarrier.arrive $0xFFFF  }
0xba: {  	[sflag:s0] =	ssyncadd.tile.s32 @!p0 $0x1;
	_ =	shalt  }
.Lfunc_end2:
_tile_overlayer_lowered:
.L_overlay_start_2:
0xbb: {  	(tag) =	ssettag $0x2  }
0xbc: {  	s0 =	rddreg [dreg:$0x0];
	s2 =	stileid.u32  }
0xbd: {  	s1 =	rddreg [dreg:$0x1];
	p0 =	sne.s32 s2, $0x0  }
0xbe: {  	s3 =	rddreg [dreg:$0x2];
	[bflag:$0x3] =	sbarrier.arrive $0xFFFF;
	s2 =	simm.s32 @!p0 $0x1C03  }
0xbf: {  	[timem:s3], [sflag:s2] =	dma.local @!p0 [hbm:s0], s1  }
0xc0: {  	s0 =	simm.s32 @!p0 $0x3  }
0xc1: {  	_ =	swait.ge @!p0 [sflag:s0], s1  }
0xc2: {  	s1 =	ssub.s32 @!p0 $0x0, s1;
	[sflag:s0] =	ssyncset.done @!p0 $0x0  }
0xc3: {  	[sflag:s0] =	ssyncadd.s32 @!p0 s1  }
0xc4: {  	[bflag:$0x3] =	sbarrier.arrive $0xFFFF  }
0xc5: {  	_ =	shalt  }

// kernel: kernel.14.cloned.1.call-start
scs
__scs_entry_jumppad:
0x0: {  	(pc) =	sbr.rel $0x88, $3  }
0x1: {  	(tag) =	ssettag $0x0;
	lr =	simm.s32 $0x1  }
0x2: {  	[smem:$0x3F9B] =	sst lr;
	_ =	strace $0xD0000000  }
0x3: {  	_ = 	snop  }
0x4: {  	_ = 	snop  }
0x5: {  	_ = 	snop  }
0x6: {  	_ = 	snop  }
0x7: {  	_ = 	snop  }
__scs_overlays_trampoline_lowered:
0x8: {  	[smem:$0x3FAA] =	sst s0  }
0x9: {  	[smem:$0x3FAB] =	sst s1  }
0xa: {  	[smem:$0x3FAC] =	sst s2  }
0xb: {  	[smem:$0x3FAD] =	sst s3  }
0xc: {  	[smem:$0x3FAE] =	sst s4  }
0xd: {  	[smem:$0x3FAF] =	sst s5  }
0xe: {  	[smem:$0x3FB0] =	sst s6  }
0xf: {  	[smem:$0x3FB1] =	sst s7  }
0x10: {  	[smem:$0x3FB2] =	sst s8  }
0x11: {  	[smem:$0x3FB3] =	sst s9;
	s0 =	simm.s32 @!p0 $0x0  }
0x12: {  	s1 =	sld [smem:$0x3F99];
	s0 =	simm.s32 @p0 $0x1  }
0x13: {  	[smem:$0x3FB4] =	sst s0;
	s0 =	simm.s32 @!p1 $0x0  }
0x14: {  	s2 =	sld [smem:$0x3F98];
	s0 =	simm.s32 @p1 $0x1  }
0x15: {  	[smem:$0x3FB5] =	sst s0;
	s0 =	simm.s32 @!p2 $0x0  }
0x16: {  	s3 =	sld [smem:$0x3FDB];
	s0 =	simm.s32 @p2 $0x1  }
0x17: {  	s4 =	simm.s32 $0x1BF5;
	[smem:$0x3FB7] =	sst s0  }
0x18: {  	s0 =	sld [smem:$0x3F9A];
	_ =	swait.ge [sflag:s4], $0x0  }
0x19: {  	s7 =	sld [smem:$0x3F9B]  }
0x1a: {  	s8 =	sadd.s32 $0xFFFFE003, lr  }
0x1b: {  	s9 =	sadd.s32 $0xFFFFFEF7, lr;
	s5 =	simm.s32 $0xFFFFFFFF;
	p2 =	slt.u32 s8, $0xFFFFF086  }
0x1c: {  	p1 =	slt.u32 s9, $0xF7A;
	s5 =	simm.s32 @!p2 $0x0  }
0x1d: {  	s5 =	simm.s32 @p1 $0x1;
	p0 =	seq.s32 s7, s2  }
0x1e: {  	s7 =	smul.u32 @!p0 $0xF7A, s2;
	p2 =	seq.s32 @!p0 s5, $0x0  }
0x1f: {  	s9 =	smul.u32 $0xF7A, s1;
	s8 =	simm.s32 @!p0 $0x1BF5;
	p2 =	por !p2, p0  }
0x20: {  	[sflag:s8] =	ssyncset.s32 @!p0 $0xFFFFF086;
	s6 =	sadd.s32 @!p0 s3, s7;
	s7 =	simm.s32 @!p0 $0x108  }
0x21: {  	s3 =	sadd.s32 s3, s9;
	s6 =	sadd.s32 @!p0 $0x88, s6;
	s7 =	simm.s32 @p2 $0x1082  }
0x22: {  	[simem:s7], [sflag:s8] =	dma.local @!p0 [hbm:s6], $0xF7A  }
0x23: {  	s9 =	sor.u32 $0xD0000000, s2;
	s6 =	simm.s32 $0x108;
	_ =	swait.ge @!p0 [sflag:s8], $0x0  }
0x24: {  	s3 =	sadd.s32 $0x88, s3;
	s6 =	simm.s32 @!p1 $0x1082;
	[sflag:s4] =	ssyncset.s32 $0xFFFFF086  }
0x25: {  	[simem:s6], [sflag:s4] =	dma.local [hbm:s3], $0xF7A  }
0x26: {  	[smem:$0x3F9B] =	sst s1;
	(tag) =	ssettag s2;
	_ =	strace s9  }
0x27: {  	s1 =	sld [smem:$0x3FAB]  }
0x28: {  	s2 =	sld [smem:$0x3FAC]  }
0x29: {  	s4 =	sld [smem:$0x3FAE]  }
0x2a: {  	p0 =	seq.s32 s5, $0x0;
	s5 =	sld [smem:$0x3FAF]  }
0x2b: {  	s6 =	sld [smem:$0x3FB0]  }
0x2c: {  	s7 =	sld [smem:$0x3FB1]  }
0x2d: {  	s3 =	simm.s32 $0x108;
	s8 =	sld [smem:$0x3FB2]  }
0x2e: {  	s3 =	simm.s32 @!p0 $0x1082;
	s9 =	sld [smem:$0x3FB3]  }
0x2f: {  	lr =	sadd.s32 s0, s3;
	s0 =	sld [smem:$0x3FAA]  }
0x30: {  	s3 =	sld [smem:$0x3FAD]  }
0x31: {  	[smem:$0x3FB6] =	sst s10  }
0x32: {  	s10 =	sld [smem:$0x3FB4];
	_ =	sdelay $0x3  }
0x33: {  	p0 =	seq.s32 s10, $0x1;
	s10 =	sld [smem:$0x3FB6];
	_ =	sdelay $0x3  }
0x34: {  	[smem:$0x3FB6] =	sst s10  }
0x35: {  	s10 =	sld [smem:$0x3FB5];
	_ =	sdelay $0x3  }
0x36: {  	p1 =	seq.s32 s10, $0x1;
	s10 =	sld [smem:$0x3FB6];
	_ =	sdelay $0x3  }
0x37: {  	[smem:$0x3FB6] =	sst s10  }
0x38: {  	s10 =	sld [smem:$0x3FB7]  }
0x39: {  	_ = 	snop;
	(pc) =	sbr.ind lr, $3  }
0x3a: {  	_ = 	snop  }
0x3b: {  	_ = 	snop  }
0x3c: {  	p2 =	seq.s32 s10, $0x1;
	s10 =	sld [smem:$0x3FB6]  }
0x3d: {  	_ =	shalt  }
0x3e: {  	_ =	shalt  }
0x3f: {  	_ =	shalt  }
0x40: {  	_ =	shalt  }
0x41: {  	_ =	shalt  }
0x42: {  	_ =	shalt  }
0x43: {  	_ =	shalt  }
0x44: {  	_ =	shalt  }
0x45: {  	_ =	shalt  }
0x46: {  	_ =	shalt  }
0x47: {  	_ =	shalt  }
0x48: {  	_ =	shalt  }
0x49: {  	_ =	shalt  }
0x4a: {  	_ =	shalt  }
0x4b: {  	_ =	shalt  }
0x4c: {  	_ =	shalt  }
0x4d: {  	_ =	shalt  }
0x4e: {  	_ =	shalt  }
0x4f: {  	_ =	shalt  }
0x50: {  	_ =	shalt  }
0x51: {  	_ =	shalt  }
0x52: {  	_ =	shalt  }
0x53: {  	_ =	shalt  }
0x54: {  	_ =	shalt  }
0x55: {  	_ =	shalt  }
0x56: {  	_ =	shalt  }
0x57: {  	_ =	shalt  }
0x58: {  	_ =	shalt  }
0x59: {  	_ =	shalt  }
0x5a: {  	_ =	shalt  }
0x5b: {  	_ =	shalt  }
0x5c: {  	_ =	shalt  }
0x5d: {  	_ =	shalt  }
0x5e: {  	_ =	shalt  }
0x5f: {  	_ =	shalt  }
0x60: {  	_ =	shalt  }
0x61: {  	_ =	shalt  }
0x62: {  	_ =	shalt  }
0x63: {  	_ =	shalt  }
0x64: {  	_ =	shalt  }
0x65: {  	_ =	shalt  }
0x66: {  	_ =	shalt  }
0x67: {  	_ =	shalt  }
0x68: {  	_ =	shalt  }
0x69: {  	_ =	shalt  }
0x6a: {  	_ =	shalt  }
0x6b: {  	_ =	shalt  }
0x6c: {  	_ =	shalt  }
0x6d: {  	_ =	shalt  }
0x6e: {  	_ =	shalt  }
0x6f: {  	_ =	shalt  }
0x70: {  	_ =	shalt  }
0x71: {  	_ =	shalt  }
0x72: {  	_ =	shalt  }
0x73: {  	_ =	shalt  }
0x74: {  	_ =	shalt  }
0x75: {  	_ =	shalt  }
0x76: {  	_ =	shalt  }
0x77: {  	_ =	shalt  }
0x78: {  	_ =	shalt  }
0x79: {  	_ =	shalt  }
0x7a: {  	_ =	shalt  }
0x7b: {  	_ =	shalt  }
0x7c: {  	_ =	shalt  }
0x7d: {  	_ =	shalt  }
0x7e: {  	_ =	shalt  }
0x7f: {  	_ =	shalt  }
0x80: {  	_ =	shalt  }
0x81: {  	_ =	shalt  }
0x82: {  	_ =	shalt  }
0x83: {  	_ =	shalt  }
0x84: {  	_ =	shalt  }
0x85: {  	_ =	shalt  }
0x86: {  	_ =	shalt  }
0x87: {  	_ =	shalt  }
.Lfunc_end0:
.L_simem_size_0:
called_computation.2_lowered:
.L_overlay_start_0:
0x88: {  	s2 =	sld [smem:$0x3FD9]  }
0x89: {  	s3 =	sld [smem:$0x3FFE];
	_ =	sdelay $0x1  }
0x8a: {  	s1 =	srdreg.scid  }
0x8b: {  	s0 =	sand.u32 $0x1, s1  }
0x8c: {  	s17 =	sshll.u32 s0, $0xA;
	s2 =	sadd.s32 s3, s2  }
0x8d: {  	s2 =	sadd.s32 s2, s17  }
0x8e: {  	[smem:$0x3FC2] =	sst s2  }
0x8f: {  	_ = 	snop  }
0x90: {  	s2 =	sld [smem:$0x3FD0];
	(tm) =	ssettm $0x1  }
0x91: {  	s18 =	sld [smem:$0x3FFB];
	_ =	sdelay $0x3  }
0x92: {  	_ =	strace s18  }
0x93: {  	s3 =	sld [smem:$0x3FFC];
	_ =	sdelay $0x3  }
0x94: {  	_ =	strace s3  }
0x95: {  	s3 =	sld [smem:$0x3FFD];
	_ =	sdelay $0x3  }
0x96: {  	_ =	strace s3  }
0x97: {  	_ =	strace $0x8FFFFFFF  }
0x98: {  	s19 =	sld [smem:$0x3FDB];
	_ =	sdelay $0x1  }
0x99: {  	s4 =	simm.s32 $_scs_section_size  }
0x9a: {  	s5 =	simm.s32 $_size__tile_overlayer_lowered;
	s6 =	simm.s32 $_tile_overlayer_lowered  }
0x9b: {  	s22 =	simm.s32 $0x1BFF;
	s21 =	sshll.u32 s6, $0x1;
	s3 =	sadd.s32 s4, s19  }
0x9c: {  	s7 =	simm.s32 $0x0;
	s20 =	sshll.u32 s5, $0x1;
	s5 =	sadd.s32 s21, s3  }
0x9d: {  	[timem:s7], [sflag:s22] =	dma.local [hbm:s5], s20  }
0x9e: {  	_ =	swait.ge [sflag:s22], s20  }
0x9f: {  	s4 =	ssub.s32 $0x0, s20;
	[sflag:s22] =	ssyncset.done $0x0  }
0xa0: {  	[sflag:s22] =	ssyncadd.s32 s4;
	_ =	sdelay $0x1  }
0xa1: {  	s23 =	simm.s32 $0x1B8B  }
0xa2: {  	_ =	swait.ge [sflag:s23], $0x1  }
0xa3: {  	[sflag:s23] =	ssyncset.done $0x0  }
0xa4: {  	s25 =	simm.s32 $0x1B8E;
	s24 =	sld [smem:$0x3FFE];
	[sflag:s23] =	ssyncadd.s32 $0xFFFFFFFF  }
0xa5: {  	s26 =	simm.s32 $execute0_lowered;
	[smem:$0x3FD2] =	sst s25  }
0xa6: {  	s5 =	sshll.u32 s26, $0x1;
	_ =	strace $0x8000004C;
	[dreg:$0x1] =	wrdreg $0xFFFFFFFF  }
0xa7: {  	s28 =	simm.s32 $_size_execute0_lowered;
	s3 =	sadd.s32 s3, s5;
	[dreg:$0x0] =	wrdreg $0x0  }
0xa8: {  	s5 =	sshll.u32 s28, $0x1;
	[dreg:$0x2] =	wrdreg s3  }
0xa9: {  	[dreg:$0x3] =	wrdreg s5  }
0xaa: {  	[dreg:$0x4] =	wrdreg $0xC0  }
0xab: {  	_ =	task [dreg:s7], $0x5FFFF  }
0xac: {  	[dreg:$0x1] =	wrdreg $0xFFFFFFFF  }
0xad: {  	[dreg:$0x0] =	wrdreg $0x60  }
0xae: {  	[dreg:$0x2] =	wrdreg s24  }
0xaf: {  	[dreg:$0x3] =	wrdreg s2  }
0xb0: {  	[dreg:$0x4] =	wrdreg $0x0  }
0xb1: {  	[dreg:$0x5] =	wrdreg $0x13C00  }
0xb2: {  	[dreg:$0x6] =	wrdreg $0x9  }
0xb3: {  	_ =	task.clear_ibuf [dreg:s7], $0x7FFFF;
	_ =	strace $0x9000004C  }
0xb4: {  	s29 =	simm.s32 $0x9;
	_ =	strace $0x8000004E  }
0xb5: {  	_ =	swait.ge [sflag:s29], $0x1  }
0xb6: {  	[sflag:s29] =	ssyncadd.s32 $0xFFFFFFFF  }
0xb7: {  	_ =	strace $0x9000004E  }
0xb8: {  	_ =	sfence  }
0xb9: {  	s30 =	sld [smem:$0x0];
	_ =	sdelay $0x2  }
0xba: {  	s31 =	sshll.u32 s1, $0xD;
	s1 =	sshrl.u32 s1, $0x2  }
0xbb: {  	s3 =	sand.u32 $0x4000, s31;
	s1 =	sadd.s32 s1, s30  }
0xbc: {  	s0 =	sor.u32 s3, s0;
	s1 =	sshll.u32 s1, $0x11  }
0xbd: {  	s0 =	sor.u32 s1, s0  }
0xbe: {  	s0 =	sadd.s32 $0x8F2B, s0  }
0xbf: {  	[sflag:s0] =	ssyncadd.remote.s32 $0x1  }
0xc0: {  	_ =	sfence.sel $0xFFFF  }
0xc1: {  	[dreg:$0x0] =	wrdreg $0xFFFFFFFF;
	(pc) =	sbr.abs _section_cstart, $3  }
0xc2: {  	[dreg:$0x1] =	wrdreg $0xFFFFFFFF  }
0xc3: {  	_ =	task.clear_ibuf [dreg:s7], $0x2FFFF;
	_ =	strace $0x9FFFFFFF  }
0xc4: {  	(tm) =	ssettm $0x7FFFFFFF  }
0xc5: {  	_ =	shalt  }
tec
execute0_lowered:
.L_overlay_start_1:
0x0: {  	(tag) =	ssettag $0x1  }
0x1: {  	s6 =	rddreg [dreg:$0x0]  }
0x2: {  	s2 =	rddreg [dreg:$0x1]  }
0x3: {  	s3 =	rddreg [dreg:$0x2]  }
0x4: {  	s4 =	rddreg [dreg:$0x3]  }
0x5: {  	s0 =	rddreg [dreg:$0x4];
	s1 =	stileid.u32  }
0x6: {  	s7 =	srdreg.scid;
	s5 =	simm.s32 $0x0;
	s13 =	simm.s32 $0x3  }
0x7: {  	s14 =	simm.s32 $0x2710;
	s15 =	simm.s32 $0x4E200;
	s16 =	simm.s32 $0x2780  }
0x8: {  	s17 =	simm.s32 $0x50;
	s18 =	simm.s32 $0x75A0;
	s19 =	simm.s32 $0x7820  }
0x9: {  	s20 =	simm.s32 $0x7AA0;
	s21 =	simm.s32 $0x7D20;
	s22 =	simm.s32 $0x7FA0  }
0xa: {  	s23 =	simm.s32 $0x1;
	s24 =	simm.s32 $0x2;
	s25 =	simm.s32 $0x0  }
0xb: {  	s8 =	smul.u32 $0x13C0, s1;
	s7 =	sand.u32 $0x1, s7;
	[smem:$0x7FF] =	sst s5  }
0xc: {  	s9 =	sshll.u32 s1, $0x1;
	s10 =	smul.u32 $0x13C00, s7;
	_ =	strace $0x8000004D  }
0xd: {  	s9 =	sor.u32 s7, s9;
	s7 =	ssub.s32 $0x2, s7;
	s11 =	sshrl.u32 s8, $0x3  }
0xe: {  	s9 =	smul.u32 $0x4E2, s9;
	s31 =	sshrl.u32 s7, $0x1;
	s10 =	sadd.s32 s8, s10  }
0xf: {  	s11 =	sadd.s32 s11, s6;
	s12 =	ssub.s32 s7, s31;
	s10 =	sshrl.u32 s10, $0x3  }
0x10: {  	s9 =	sadd.s32 s9, s6;
	s7 =	sadd.s32 $0x16600, s11;
	s11 =	smax.u32 s12, $0x1  }
0x11: {  	s12 =	simm.s32 $0x8220;
	s10 =	sadd.s32 s10, s6;
	s6 =	sadd.s32 s8, s3  }
0x12: {  	s8 =	sadd.s32 s8, s4;
	s9 =	sadd.s32 $0x2C00, s9;
	s10 =	sadd.s32 $0x18E00, s10  }
.LBB2_1:
0x13: {  	[tilespmem:s12], [sflag:$0x3] =	stream.linear.gather [hbm4b:s2+s5], $0x13C0, $0x38;
	[tilespmem:$0x95E0] =	vst v63  }
0x14: {  	_ =	swait.ge [sflag:s13], $0x13C0  }
0x15: {  	[sflag:s13] =	ssyncset.done $0x0  }
0x16: {  	[sflag:s13] =	ssyncadd.s32 $0xFFFFEC40  }
0x17: {  	[spmem:s6] =	stream.linear.scatter [tilespmem:s12], [sflag:$0x3], $0x13C0, $0x38;
	[tilespmem:$0x95E0] =	vst v63  }
0x18: {  	_ =	swait.ge [sflag:s13], $0x13C0  }
0x19: {  	[sflag:s13] =	ssyncset.done $0x0  }
0x1a: {  	[sflag:s13] =	ssyncadd.s32 $0xFFFFEC40  }
0x1b: {  	[tilespmem:s12], [sflag:$0x3] =	stream.linear.gather [hbm4b:s7+s5], $0x13C0, $0x38;
	[tilespmem:$0x95E0] =	vst v63  }
0x1c: {  	_ =	swait.ge [sflag:s13], $0x13C0  }
0x1d: {  	[sflag:s13] =	ssyncset.done $0x0  }
0x1e: {  	[sflag:s13] =	ssyncadd.s32 $0xFFFFEC40  }
0x1f: {  	[spmem:s8] =	stream.linear.scatter [tilespmem:s12], [sflag:$0x3], $0x13C0, $0x38;
	[tilespmem:$0x95E0] =	vst v63  }
0x20: {  	_ =	swait.ge [sflag:s13], $0x13C0  }
0x21: {  	[sflag:s13] =	ssyncset.done $0x0  }
0x22: {  	[sflag:s13] =	ssyncadd.s32 $0xFFFFEC40  }
0x23: {  	[tilespmem:s16], [sflag:$0x3] =	stream.strided.gather [hbm4b:s9+s14], $0x4E20, s15, s14, $0x38;
	[tilespmem:$0x95E0] =	vst v63  }
0x24: {  	_ =	swait.ge [sflag:s13], $0x4E20  }
0x25: {  	[sflag:s13] =	ssyncset.done $0x0  }
0x26: {  	[sflag:s13] =	ssyncadd.s32 $0xFFFFB1E0  }
0x27: {  	s26 =	simm.s32 $0x2780;
	[bflag:$0x0] =	sbarrier.arrive $0xFFFF  }
0x28: {  	[tilespmem:s18], [sflag:$0x1] =	stream.indirect.gather [spmem:s4], $0x8, s26, s17, $0xb8;
	[tilespmem:$0x95E0] =	vst v63  }
0x29: {  	s28 =	simm.s32 $0x27D0  }
0x2a: {  	[tilespmem:s19], [sflag:$0x1] =	stream.indirect.gather [spmem:s4], $0x8, s28, s17, $0xb8;
	[tilespmem:$0x95E0] =	vst v63  }
0x2b: {  	s29 =	simm.s32 $0x2820  }
0x2c: {  	[tilespmem:s20], [sflag:$0x1] =	stream.indirect.gather [spmem:s4], $0x8, s29, s17, $0xb8;
	[tilespmem:$0x95E0] =	vst v63  }
0x2d: {  	s31 =	simm.s32 $0x2870  }
0x2e: {  	[tilespmem:s21], [sflag:$0x1] =	stream.indirect.gather [spmem:s4], $0x8, s31, s17, $0xb8;
	[tilespmem:$0x95E0] =	vst v63  }
0x2f: {  	s28 =	simm.s32 $0x28C0  }
0x30: {  	[tilespmem:s22], [sflag:$0x1] =	stream.indirect.gather [spmem:s4], $0x8, s28, s17, $0xb8;
	[tilespmem:$0x95E0] =	vst v63  }
0x31: {  	_ =	swait.ge [sflag:s23], $0x280  }
0x32: {  	[sflag:s23] =	ssyncset.done $0x0  }
0x33: {  	s29 =	simm.s32 $0x4E90;
	[sflag:s23] =	ssyncadd.s32 $0xFFFFFD80  }
0x34: {  	[spmem:s3] =	stream.indirect.scatter.add.f32 [tilespmem:s18], [sflag:$0x2], $0x8, s29, s17, $0xb8;
	[tilespmem:$0x95E0] =	vst v63  }
0x35: {  	_ =	swait.ge [sflag:s23], $0x280  }
0x36: {  	[sflag:s23] =	ssyncset.done $0x0  }
0x37: {  	s31 =	simm.s32 $0x4EE0;
	[sflag:s23] =	ssyncadd.s32 $0xFFFFFD80  }
0x38: {  	[spmem:s3] =	stream.indirect.scatter.add.f32 [tilespmem:s19], [sflag:$0x2], $0x8, s31, s17, $0xb8;
	[tilespmem:$0x95E0] =	vst v63  }
0x39: {  	_ =	swait.ge [sflag:s23], $0x280  }
0x3a: {  	[sflag:s23] =	ssyncset.done $0x0  }
0x3b: {  	s28 =	simm.s32 $0x4F30;
	[sflag:s23] =	ssyncadd.s32 $0xFFFFFD80  }
0x3c: {  	[spmem:s3] =	stream.indirect.scatter.add.f32 [tilespmem:s20], [sflag:$0x2], $0x8, s28, s17, $0xb8;
	[tilespmem:$0x95E0] =	vst v63  }
0x3d: {  	_ =	swait.ge [sflag:s23], $0x280  }
0x3e: {  	[sflag:s23] =	ssyncset.done $0x0  }
0x3f: {  	s29 =	simm.s32 $0x4F80;
	[sflag:s23] =	ssyncadd.s32 $0xFFFFFD80  }
0x40: {  	[spmem:s3] =	stream.indirect.scatter.add.f32 [tilespmem:s21], [sflag:$0x2], $0x8, s29, s17, $0xb8;
	[tilespmem:$0x95E0] =	vst v63  }
0x41: {  	_ =	swait.ge [sflag:s23], $0x280  }
0x42: {  	[sflag:s23] =	ssyncset.done $0x0  }
0x43: {  	s31 =	simm.s32 $0x4FD0;
	[sflag:s23] =	ssyncadd.s32 $0xFFFFFD80  }
0x44: {  	[spmem:s3] =	stream.indirect.scatter.add.f32 [tilespmem:s22], [sflag:$0x2], $0x8, s31, s17, $0xb8;
	[tilespmem:$0x95E0] =	vst v63  }
0x45: {  	_ =	swait.ge [sflag:s24], $0x280  }
0x46: {  	[sflag:s24] =	ssyncset.done $0x0  }
0x47: {  	[sflag:s24] =	ssyncadd.s32 $0xFFFFFD80  }
0x48: {  	_ =	swait.ge [sflag:s24], $0x280  }
0x49: {  	[sflag:s24] =	ssyncset.done $0x0  }
0x4a: {  	[sflag:s24] =	ssyncadd.s32 $0xFFFFFD80  }
0x4b: {  	_ =	swait.ge [sflag:s24], $0x280  }
0x4c: {  	[sflag:s24] =	ssyncset.done $0x0  }
0x4d: {  	[sflag:s24] =	ssyncadd.s32 $0xFFFFFD80  }
0x4e: {  	_ =	swait.ge [sflag:s24], $0x280  }
0x4f: {  	[sflag:s24] =	ssyncset.done $0x0  }
0x50: {  	[sflag:s24] =	ssyncadd.s32 $0xFFFFFD80  }
0x51: {  	_ =	swait.ge [sflag:s24], $0x280  }
0x52: {  	s30 =	simm.s32 $0xC80;
	s26 =	simm.s32 $0x190;
	[sflag:s24] =	ssyncset.done $0x0  }
.LBB2_2:
0x53: {  	s31 =	sadd.s32 $0x2780, s26  }
0x54: {  	[sflag:s24] =	ssyncadd.s32 $0xFFFFFD80;
	s29 =	smov.u32 s30;
	s28 =	sadd.s32 $0x640, s30  }
0x55: {  	[tilespmem:s18], [sflag:$0x1] =	stream.indirect.gather [spmem:s4], $0x8, s31, s17, $0xb8;
	[tilespmem:$0x95E0] =	vst v63  }
0x56: {  	p0 =	sne.s32 s30, $0x9600;
	s30 =	sadd.s32 $0x27D0, s26  }
0x57: {  	[tilespmem:s19], [sflag:$0x1] =	stream.indirect.gather [spmem:s4], $0x8, s30, s17, $0xb8;
	[tilespmem:$0x95E0] =	vst v63  }
0x58: {  	s30 =	sadd.s32 $0x2820, s26  }
0x59: {  	[tilespmem:s20], [sflag:$0x1] =	stream.indirect.gather [spmem:s4], $0x8, s30, s17, $0xb8;
	[tilespmem:$0x95E0] =	vst v63  }
0x5a: {  	s30 =	sadd.s32 $0x2870, s26  }
0x5b: {  	[tilespmem:s21], [sflag:$0x1] =	stream.indirect.gather [spmem:s4], $0x8, s30, s17, $0xb8;
	[tilespmem:$0x95E0] =	vst v63  }
0x5c: {  	s30 =	sadd.s32 $0x28C0, s26  }
0x5d: {  	[tilespmem:s22], [sflag:$0x1] =	stream.indirect.gather [spmem:s4], $0x8, s30, s17, $0xb8;
	[tilespmem:$0x95E0] =	vst v63  }
0x5e: {  	_ =	swait.ge [sflag:s23], $0x280  }
0x5f: {  	[sflag:s23] =	ssyncset.done $0x0  }
0x60: {  	s30 =	sadd.s32 $0x4E90, s26;
	[sflag:s23] =	ssyncadd.s32 $0xFFFFFD80  }
0x61: {  	[spmem:s3] =	stream.indirect.scatter.add.f32 [tilespmem:s18], [sflag:$0x2], $0x8, s30, s17, $0xb8;
	[tilespmem:$0x95E0] =	vst v63  }
0x62: {  	_ =	swait.ge [sflag:s23], $0x280  }
0x63: {  	[sflag:s23] =	ssyncset.done $0x0  }
0x64: {  	s30 =	sadd.s32 $0x4EE0, s26;
	[sflag:s23] =	ssyncadd.s32 $0xFFFFFD80  }
0x65: {  	[spmem:s3] =	stream.indirect.scatter.add.f32 [tilespmem:s19], [sflag:$0x2], $0x8, s30, s17, $0xb8;
	[tilespmem:$0x95E0] =	vst v63  }
0x66: {  	_ =	swait.ge [sflag:s23], $0x280  }
0x67: {  	[sflag:s23] =	ssyncset.done $0x0  }
0x68: {  	s30 =	sadd.s32 $0x4F30, s26;
	[sflag:s23] =	ssyncadd.s32 $0xFFFFFD80  }
0x69: {  	[spmem:s3] =	stream.indirect.scatter.add.f32 [tilespmem:s20], [sflag:$0x2], $0x8, s30, s17, $0xb8;
	[tilespmem:$0x95E0] =	vst v63  }
0x6a: {  	_ =	swait.ge [sflag:s23], $0x280  }
0x6b: {  	[sflag:s23] =	ssyncset.done $0x0  }
0x6c: {  	s30 =	sadd.s32 $0x4F80, s26;
	[sflag:s23] =	ssyncadd.s32 $0xFFFFFD80  }
0x6d: {  	[spmem:s3] =	stream.indirect.scatter.add.f32 [tilespmem:s21], [sflag:$0x2], $0x8, s30, s17, $0xb8;
	[tilespmem:$0x95E0] =	vst v63  }
0x6e: {  	_ =	swait.ge [sflag:s23], $0x280  }
0x6f: {  	[sflag:s23] =	ssyncset.done $0x0  }
0x70: {  	s26 =	sadd.s32 $0x4FD0, s26;
	[sflag:s23] =	ssyncadd.s32 $0xFFFFFD80  }
0x71: {  	[spmem:s3] =	stream.indirect.scatter.add.f32 [tilespmem:s22], [sflag:$0x2], $0x8, s26, s17, $0xb8;
	[tilespmem:$0x95E0] =	vst v63  }
0x72: {  	_ =	swait.ge [sflag:s24], $0x280  }
0x73: {  	[sflag:s24] =	ssyncset.done $0x0  }
0x74: {  	[sflag:s24] =	ssyncadd.s32 $0xFFFFFD80  }
0x75: {  	_ =	swait.ge [sflag:s24], $0x280  }
0x76: {  	[sflag:s24] =	ssyncset.done $0x0  }
0x77: {  	[sflag:s24] =	ssyncadd.s32 $0xFFFFFD80  }
0x78: {  	_ =	swait.ge [sflag:s24], $0x280  }
0x79: {  	[sflag:s24] =	ssyncset.done $0x0  }
0x7a: {  	[sflag:s24] =	ssyncadd.s32 $0xFFFFFD80  }
.Ltmp0:
0x7b: {  	_ =	swait.ge [sflag:s24], $0x280;
	(pc) =	sbr.rel @p0 .LBB2_2-.Ltmp0, $4  }
0x7c: {  	[sflag:s24] =	ssyncset.done $0x0  }
0x7d: {  	[sflag:s24] =	ssyncadd.s32 $0xFFFFFD80  }
0x7e: {  	_ =	swait.ge [sflag:s24], $0x280  }
0x7f: {  	s30 =	smov.u32 s28;
	s26 =	sshra.s32 s29, $0x2;
	[sflag:s24] =	ssyncset.done $0x0  }
0x80: {  	s28 =	sadd.s32 $0x2780, s26;
	[sflag:s24] =	ssyncadd.s32 $0xFFFFFD80  }
0x81: {  	[tilespmem:s18], [sflag:$0x1] =	stream.indirect.gather [spmem:s4], $0x8, s28, s17, $0xb8;
	[tilespmem:$0x95E0] =	vst v63  }
0x82: {  	s29 =	sadd.s32 $0x27D0, s26  }
0x83: {  	[tilespmem:s19], [sflag:$0x1] =	stream.indirect.gather [spmem:s4], $0x8, s29, s17, $0xb8;
	[tilespmem:$0x95E0] =	vst v63  }
0x84: {  	s30 =	sadd.s32 $0x2820, s26  }
0x85: {  	[tilespmem:s20], [sflag:$0x1] =	stream.indirect.gather [spmem:s4], $0x8, s30, s17, $0xb8;
	[tilespmem:$0x95E0] =	vst v63  }
0x86: {  	s31 =	sadd.s32 $0x2870, s26  }
0x87: {  	[tilespmem:s21], [sflag:$0x1] =	stream.indirect.gather [spmem:s4], $0x8, s31, s17, $0xb8;
	[tilespmem:$0x95E0] =	vst v63  }
0x88: {  	s29 =	sadd.s32 $0x28C0, s26  }
0x89: {  	[tilespmem:s22], [sflag:$0x1] =	stream.indirect.gather [spmem:s4], $0x8, s29, s17, $0xb8;
	[tilespmem:$0x95E0] =	vst v63  }
0x8a: {  	_ =	swait.ge [sflag:s23], $0x280  }
0x8b: {  	[sflag:s23] =	ssyncset.done $0x0  }
0x8c: {  	s30 =	sadd.s32 $0x4E90, s26;
	[sflag:s23] =	ssyncadd.s32 $0xFFFFFD80  }
0x8d: {  	[spmem:s3] =	stream.indirect.scatter.add.f32 [tilespmem:s18], [sflag:$0x2], $0x8, s30, s17, $0xb8;
	[tilespmem:$0x95E0] =	vst v63  }
0x8e: {  	_ =	swait.ge [sflag:s23], $0x280  }
0x8f: {  	[sflag:s23] =	ssyncset.done $0x0  }
0x90: {  	s31 =	sadd.s32 $0x4EE0, s26;
	[sflag:s23] =	ssyncadd.s32 $0xFFFFFD80  }
0x91: {  	[spmem:s3] =	stream.indirect.scatter.add.f32 [tilespmem:s19], [sflag:$0x2], $0x8, s31, s17, $0xb8;
	[tilespmem:$0x95E0] =	vst v63  }
0x92: {  	_ =	swait.ge [sflag:s23], $0x280  }
0x93: {  	[sflag:s23] =	ssyncset.done $0x0  }
0x94: {  	s29 =	sadd.s32 $0x4F30, s26;
	[sflag:s23] =	ssyncadd.s32 $0xFFFFFD80  }
0x95: {  	[spmem:s3] =	stream.indirect.scatter.add.f32 [tilespmem:s20], [sflag:$0x2], $0x8, s29, s17, $0xb8;
	[tilespmem:$0x95E0] =	vst v63  }
0x96: {  	_ =	swait.ge [sflag:s23], $0x280  }
0x97: {  	[sflag:s23] =	ssyncset.done $0x0  }
0x98: {  	s30 =	sadd.s32 $0x4F80, s26;
	[sflag:s23] =	ssyncadd.s32 $0xFFFFFD80  }
0x99: {  	[spmem:s3] =	stream.indirect.scatter.add.f32 [tilespmem:s21], [sflag:$0x2], $0x8, s30, s17, $0xb8;
	[tilespmem:$0x95E0] =	vst v63  }
0x9a: {  	_ =	swait.ge [sflag:s23], $0x280  }
0x9b: {  	[sflag:s23] =	ssyncset.done $0x0  }
0x9c: {  	s31 =	sadd.s32 $0x4FD0, s26;
	[sflag:s23] =	ssyncadd.s32 $0xFFFFFD80  }
0x9d: {  	[spmem:s3] =	stream.indirect.scatter.add.f32 [tilespmem:s22], [sflag:$0x2], $0x8, s31, s17, $0xb8;
	[tilespmem:$0x95E0] =	vst v63  }
0x9e: {  	_ =	swait.ge [sflag:s24], $0x280  }
0x9f: {  	[sflag:s24] =	ssyncset.done $0x0  }
0xa0: {  	[sflag:s24] =	ssyncadd.s32 $0xFFFFFD80  }
0xa1: {  	_ =	swait.ge [sflag:s24], $0x280  }
0xa2: {  	[sflag:s24] =	ssyncset.done $0x0  }
0xa3: {  	[sflag:s24] =	ssyncadd.s32 $0xFFFFFD80  }
0xa4: {  	_ =	swait.ge [sflag:s24], $0x280  }
0xa5: {  	[sflag:s24] =	ssyncset.done $0x0  }
0xa6: {  	[sflag:s24] =	ssyncadd.s32 $0xFFFFFD80  }
0xa7: {  	_ =	swait.ge [sflag:s24], $0x280  }
0xa8: {  	[sflag:s24] =	ssyncset.done $0x0  }
0xa9: {  	[sflag:s24] =	ssyncadd.s32 $0xFFFFFD80  }
0xaa: {  	_ =	swait.ge [sflag:s24], $0x280  }
0xab: {  	[sflag:s24] =	ssyncset.done $0x0  }
0xac: {  	[sflag:s24] =	ssyncadd.s32 $0xFFFFFD80  }
0xad: {  	[bflag:$0x0] =	sbarrier.arrive $0xFFFF  }
0xae: {  	[tilespmem:s12], [sflag:$0x3] =	stream.linear.gather [spmem:s6], $0x13C0, $0x38;
	[tilespmem:$0x95E0] =	vst v63  }
0xaf: {  	s25 =	sadd.s32 $0x1, s25;
	_ =	swait.ge [sflag:s13], $0x13C0  }
0xb0: {  	p0 =	sne.s32 s25, s11;
	[sflag:s13] =	ssyncset.done $0x0  }
.Ltmp1:
0xb1: {  	[sflag:s13] =	ssyncadd.s32 $0xFFFFEC40;
	(pc) =	sbr.rel @p0 .LBB2_1-.Ltmp1, $4  }
0xb2: {  	[hbm4b:s10+s5] =	stream.linear.scatter [tilespmem:s12], [sflag:$0x3], $0x13C0, $0x38;
	[tilespmem:$0x95E0] =	vst v63  }
0xb3: {  	_ =	swait.ge [sflag:s13], $0x13C0  }
0xb4: {  	[sflag:s13] =	ssyncset.done $0x0  }
0xb5: {  	[sflag:s13] =	ssyncadd.s32 $0xFFFFEC40  }
0xb6: {  	_ =	sfence.sel $0x180000  }
0xb7: {  	[bflag:$0x0] =	sbarrier.arrive $0xFFFF  }
0xb8: {  	p0 =	sne.s32 s1, $0x0;
	_ =	strace $0x9000004D  }
0xb9: {  	s0 =	sadd.s32 @!p0 $0x100000, s0;
	[bflag:$0x2] =	sbarrier.arrive $0xFFFF  }
0xba: {  	[sflag:s0] =	ssyncadd.tile.s32 @!p0 $0x1;
	_ =	shalt  }
.Lfunc_end2:
_tile_overlayer_lowered:
.L_overlay_start_2:
0xbb: {  	(tag) =	ssettag $0x2  }
0xbc: {  	s0 =	rddreg [dreg:$0x0];
	s2 =	stileid.u32  }
0xbd: {  	s1 =	rddreg [dreg:$0x1];
	p0 =	sne.s32 s2, $0x0  }
0xbe: {  	s3 =	rddreg [dreg:$0x2];
	[bflag:$0x3] =	sbarrier.arrive $0xFFFF;
	s2 =	simm.s32 @!p0 $0x1C03  }
0xbf: {  	[timem:s3], [sflag:s2] =	dma.local @!p0 [hbm:s0], s1  }
0xc0: {  	s0 =	simm.s32 @!p0 $0x3  }
0xc1: {  	_ =	swait.ge @!p0 [sflag:s0], s1  }
0xc2: {  	s1 =	ssub.s32 @!p0 $0x0, s1;
	[sflag:s0] =	ssyncset.done @!p0 $0x0  }
0xc3: {  	[sflag:s0] =	ssyncadd.s32 @!p0 s1  }
0xc4: {  	[bflag:$0x3] =	sbarrier.arrive $0xFFFF  }
0xc5: {  	_ =	shalt  }

// kernel: kernel.8.cloned.1.call-start
scs
__scs_entry_jumppad:
0x0: {  	(pc) =	sbr.rel $0x88, $3  }
0x1: {  	(tag) =	ssettag $0x0;
	lr =	simm.s32 $0x1  }
0x2: {  	[smem:$0x3F9B] =	sst lr;
	_ =	strace $0xD0000000  }
0x3: {  	_ = 	snop  }
0x4: {  	_ = 	snop  }
0x5: {  	_ = 	snop  }
0x6: {  	_ = 	snop  }
0x7: {  	_ = 	snop  }
__scs_overlays_trampoline_lowered:
0x8: {  	[smem:$0x3FAA] =	sst s0  }
0x9: {  	[smem:$0x3FAB] =	sst s1  }
0xa: {  	[smem:$0x3FAC] =	sst s2  }
0xb: {  	[smem:$0x3FAD] =	sst s3  }
0xc: {  	[smem:$0x3FAE] =	sst s4  }
0xd: {  	[smem:$0x3FAF] =	sst s5  }
0xe: {  	[smem:$0x3FB0] =	sst s6  }
0xf: {  	[smem:$0x3FB1] =	sst s7  }
0x10: {  	[smem:$0x3FB2] =	sst s8  }
0x11: {  	[smem:$0x3FB3] =	sst s9;
	s0 =	simm.s32 @!p0 $0x0  }
0x12: {  	s1 =	sld [smem:$0x3F99];
	s0 =	simm.s32 @p0 $0x1  }
0x13: {  	[smem:$0x3FB4] =	sst s0;
	s0 =	simm.s32 @!p1 $0x0  }
0x14: {  	s2 =	sld [smem:$0x3F98];
	s0 =	simm.s32 @p1 $0x1  }
0x15: {  	[smem:$0x3FB5] =	sst s0;
	s0 =	simm.s32 @!p2 $0x0  }
0x16: {  	s3 =	sld [smem:$0x3FDB];
	s0 =	simm.s32 @p2 $0x1  }
0x17: {  	s4 =	simm.s32 $0x1BF5;
	[smem:$0x3FB7] =	sst s0  }
0x18: {  	s0 =	sld [smem:$0x3F9A];
	_ =	swait.ge [sflag:s4], $0x0  }
0x19: {  	s7 =	sld [smem:$0x3F9B]  }
0x1a: {  	s8 =	sadd.s32 $0xFFFFE003, lr  }
0x1b: {  	s9 =	sadd.s32 $0xFFFFFEF7, lr;
	s5 =	simm.s32 $0xFFFFFFFF;
	p2 =	slt.u32 s8, $0xFFFFF086  }
0x1c: {  	p1 =	slt.u32 s9, $0xF7A;
	s5 =	simm.s32 @!p2 $0x0  }
0x1d: {  	s5 =	simm.s32 @p1 $0x1;
	p0 =	seq.s32 s7, s2  }
0x1e: {  	s7 =	smul.u32 @!p0 $0xF7A, s2;
	p2 =	seq.s32 @!p0 s5, $0x0  }
0x1f: {  	s9 =	smul.u32 $0xF7A, s1;
	s8 =	simm.s32 @!p0 $0x1BF5;
	p2 =	por !p2, p0  }
0x20: {  	[sflag:s8] =	ssyncset.s32 @!p0 $0xFFFFF086;
	s6 =	sadd.s32 @!p0 s3, s7;
	s7 =	simm.s32 @!p0 $0x108  }
0x21: {  	s3 =	sadd.s32 s3, s9;
	s6 =	sadd.s32 @!p0 $0x88, s6;
	s7 =	simm.s32 @p2 $0x1082  }
0x22: {  	[simem:s7], [sflag:s8] =	dma.local @!p0 [hbm:s6], $0xF7A  }
0x23: {  	s9 =	sor.u32 $0xD0000000, s2;
	s6 =	simm.s32 $0x108;
	_ =	swait.ge @!p0 [sflag:s8], $0x0  }
0x24: {  	s3 =	sadd.s32 $0x88, s3;
	s6 =	simm.s32 @!p1 $0x1082;
	[sflag:s4] =	ssyncset.s32 $0xFFFFF086  }
0x25: {  	[simem:s6], [sflag:s4] =	dma.local [hbm:s3], $0xF7A  }
0x26: {  	[smem:$0x3F9B] =	sst s1;
	(tag) =	ssettag s2;
	_ =	strace s9  }
0x27: {  	s1 =	sld [smem:$0x3FAB]  }
0x28: {  	s2 =	sld [smem:$0x3FAC]  }
0x29: {  	s4 =	sld [smem:$0x3FAE]  }
0x2a: {  	p0 =	seq.s32 s5, $0x0;
	s5 =	sld [smem:$0x3FAF]  }
0x2b: {  	s6 =	sld [smem:$0x3FB0]  }
0x2c: {  	s7 =	sld [smem:$0x3FB1]  }
0x2d: {  	s3 =	simm.s32 $0x108;
	s8 =	sld [smem:$0x3FB2]  }
0x2e: {  	s3 =	simm.s32 @!p0 $0x1082;
	s9 =	sld [smem:$0x3FB3]  }
0x2f: {  	lr =	sadd.s32 s0, s3;
	s0 =	sld [smem:$0x3FAA]  }
0x30: {  	s3 =	sld [smem:$0x3FAD]  }
0x31: {  	[smem:$0x3FB6] =	sst s10  }
0x32: {  	s10 =	sld [smem:$0x3FB4];
	_ =	sdelay $0x3  }
0x33: {  	p0 =	seq.s32 s10, $0x1;
	s10 =	sld [smem:$0x3FB6];
	_ =	sdelay $0x3  }
0x34: {  	[smem:$0x3FB6] =	sst s10  }
0x35: {  	s10 =	sld [smem:$0x3FB5];
	_ =	sdelay $0x3  }
0x36: {  	p1 =	seq.s32 s10, $0x1;
	s10 =	sld [smem:$0x3FB6];
	_ =	sdelay $0x3  }
0x37: {  	[smem:$0x3FB6] =	sst s10  }
0x38: {  	s10 =	sld [smem:$0x3FB7]  }
0x39: {  	_ = 	snop;
	(pc) =	sbr.ind lr, $3  }
0x3a: {  	_ = 	snop  }
0x3b: {  	_ = 	snop  }
0x3c: {  	p2 =	seq.s32 s10, $0x1;
	s10 =	sld [smem:$0x3FB6]  }
0x3d: {  	_ =	shalt  }
0x3e: {  	_ =	shalt  }
0x3f: {  	_ =	shalt  }
0x40: {  	_ =	shalt  }
0x41: {  	_ =	shalt  }
0x42: {  	_ =	shalt  }
0x43: {  	_ =	shalt  }
0x44: {  	_ =	shalt  }
0x45: {  	_ =	shalt  }
0x46: {  	_ =	shalt  }
0x47: {  	_ =	shalt  }
0x48: {  	_ =	shalt  }
0x49: {  	_ =	shalt  }
0x4a: {  	_ =	shalt  }
0x4b: {  	_ =	shalt  }
0x4c: {  	_ =	shalt  }
0x4d: {  	_ =	shalt  }
0x4e: {  	_ =	shalt  }
0x4f: {  	_ =	shalt  }
0x50: {  	_ =	shalt  }
0x51: {  	_ =	shalt  }
0x52: {  	_ =	shalt  }
0x53: {  	_ =	shalt  }
0x54: {  	_ =	shalt  }
0x55: {  	_ =	shalt  }
0x56: {  	_ =	shalt  }
0x57: {  	_ =	shalt  }
0x58: {  	_ =	shalt  }
0x59: {  	_ =	shalt  }
0x5a: {  	_ =	shalt  }
0x5b: {  	_ =	shalt  }
0x5c: {  	_ =	shalt  }
0x5d: {  	_ =	shalt  }
0x5e: {  	_ =	shalt  }
0x5f: {  	_ =	shalt  }
0x60: {  	_ =	shalt  }
0x61: {  	_ =	shalt  }
0x62: {  	_ =	shalt  }
0x63: {  	_ =	shalt  }
0x64: {  	_ =	shalt  }
0x65: {  	_ =	shalt  }
0x66: {  	_ =	shalt  }
0x67: {  	_ =	shalt  }
0x68: {  	_ =	shalt  }
0x69: {  	_ =	shalt  }
0x6a: {  	_ =	shalt  }
0x6b: {  	_ =	shalt  }
0x6c: {  	_ =	shalt  }
0x6d: {  	_ =	shalt  }
0x6e: {  	_ =	shalt  }
0x6f: {  	_ =	shalt  }
0x70: {  	_ =	shalt  }
0x71: {  	_ =	shalt  }
0x72: {  	_ =	shalt  }
0x73: {  	_ =	shalt  }
0x74: {  	_ =	shalt  }
0x75: {  	_ =	shalt  }
0x76: {  	_ =	shalt  }
0x77: {  	_ =	shalt  }
0x78: {  	_ =	shalt  }
0x79: {  	_ =	shalt  }
0x7a: {  	_ =	shalt  }
0x7b: {  	_ =	shalt  }
0x7c: {  	_ =	shalt  }
0x7d: {  	_ =	shalt  }
0x7e: {  	_ =	shalt  }
0x7f: {  	_ =	shalt  }
0x80: {  	_ =	shalt  }
0x81: {  	_ =	shalt  }
0x82: {  	_ =	shalt  }
0x83: {  	_ =	shalt  }
0x84: {  	_ =	shalt  }
0x85: {  	_ =	shalt  }
0x86: {  	_ =	shalt  }
0x87: {  	_ =	shalt  }
.Lfunc_end0:
.L_simem_size_0:
called_computation_lowered:
.L_overlay_start_0:
0x88: {  	s2 =	sld [smem:$0x3FD9]  }
0x89: {  	s3 =	sld [smem:$0x3FFE];
	_ =	sdelay $0x1  }
0x8a: {  	s1 =	srdreg.scid  }
0x8b: {  	s0 =	sand.u32 $0x1, s1  }
0x8c: {  	s17 =	sshll.u32 s0, $0xA;
	s2 =	sadd.s32 s3, s2  }
0x8d: {  	s2 =	sadd.s32 s2, s17  }
0x8e: {  	[smem:$0x3FC2] =	sst s2  }
0x8f: {  	_ = 	snop  }
0x90: {  	s2 =	sld [smem:$0x3FD0];
	(tm) =	ssettm $0x1  }
0x91: {  	s18 =	sld [smem:$0x3FFB];
	_ =	sdelay $0x3  }
0x92: {  	_ =	strace s18  }
0x93: {  	s3 =	sld [smem:$0x3FFC];
	_ =	sdelay $0x3  }
0x94: {  	_ =	strace s3  }
0x95: {  	s3 =	sld [smem:$0x3FFD];
	_ =	sdelay $0x3  }
0x96: {  	_ =	strace s3  }
0x97: {  	_ =	strace $0x8FFFFFFF  }
0x98: {  	s19 =	sld [smem:$0x3FDB];
	_ =	sdelay $0x1  }
0x99: {  	s4 =	simm.s32 $_scs_section_size  }
0x9a: {  	s5 =	simm.s32 $_size__tile_overlayer_lowered;
	s6 =	simm.s32 $_tile_overlayer_lowered  }
0x9b: {  	s22 =	simm.s32 $0x1BFF;
	s21 =	sshll.u32 s6, $0x1;
	s3 =	sadd.s32 s4, s19  }
0x9c: {  	s7 =	simm.s32 $0x0;
	s20 =	sshll.u32 s5, $0x1;
	s5 =	sadd.s32 s21, s3  }
0x9d: {  	[timem:s7], [sflag:s22] =	dma.local [hbm:s5], s20  }
0x9e: {  	_ =	swait.ge [sflag:s22], s20  }
0x9f: {  	s4 =	ssub.s32 $0x0, s20;
	[sflag:s22] =	ssyncset.done $0x0  }
0xa0: {  	[sflag:s22] =	ssyncadd.s32 s4;
	_ =	sdelay $0x1  }
0xa1: {  	s23 =	simm.s32 $0x1B8B  }
0xa2: {  	_ =	swait.ge [sflag:s23], $0x1  }
0xa3: {  	[sflag:s23] =	ssyncset.done $0x0  }
0xa4: {  	s25 =	simm.s32 $0x1B8E;
	s24 =	sld [smem:$0x3FFE];
	[sflag:s23] =	ssyncadd.s32 $0xFFFFFFFF  }
0xa5: {  	s26 =	simm.s32 $execute0_lowered;
	[smem:$0x3FD2] =	sst s25  }
0xa6: {  	s5 =	sshll.u32 s26, $0x1;
	_ =	strace $0x80000046;
	[dreg:$0x1] =	wrdreg $0xFFFFFFFF  }
0xa7: {  	s28 =	simm.s32 $_size_execute0_lowered;
	s3 =	sadd.s32 s3, s5;
	[dreg:$0x0] =	wrdreg $0x0  }
0xa8: {  	s5 =	sshll.u32 s28, $0x1;
	[dreg:$0x2] =	wrdreg s3  }
0xa9: {  	[dreg:$0x3] =	wrdreg s5  }
0xaa: {  	[dreg:$0x4] =	wrdreg $0xC0  }
0xab: {  	_ =	task [dreg:s7], $0x5FFFF  }
0xac: {  	[dreg:$0x1] =	wrdreg $0xFFFFFFFF  }
0xad: {  	[dreg:$0x0] =	wrdreg $0x60  }
0xae: {  	[dreg:$0x2] =	wrdreg s24  }
0xaf: {  	[dreg:$0x3] =	wrdreg s2  }
0xb0: {  	[dreg:$0x4] =	wrdreg $0x0  }
0xb1: {  	[dreg:$0x5] =	wrdreg $0x9  }
0xb2: {  	_ =	task.clear_ibuf [dreg:s7], $0x6FFFF;
	_ =	strace $0x90000046  }
0xb3: {  	s29 =	simm.s32 $0x9;
	_ =	strace $0x80000048  }
0xb4: {  	_ =	swait.ge [sflag:s29], $0x1  }
0xb5: {  	[sflag:s29] =	ssyncadd.s32 $0xFFFFFFFF  }
0xb6: {  	_ =	strace $0x90000048  }
0xb7: {  	_ =	sfence  }
0xb8: {  	s30 =	sld [smem:$0x0];
	_ =	sdelay $0x2  }
0xb9: {  	s31 =	sshll.u32 s1, $0xD;
	s1 =	sshrl.u32 s1, $0x2  }
0xba: {  	s3 =	sand.u32 $0x4000, s31;
	s1 =	sadd.s32 s1, s30  }
0xbb: {  	s0 =	sor.u32 s3, s0;
	s1 =	sshll.u32 s1, $0x11  }
0xbc: {  	s0 =	sor.u32 s1, s0  }
0xbd: {  	s0 =	sadd.s32 $0x8F2B, s0  }
0xbe: {  	[sflag:s0] =	ssyncadd.remote.s32 $0x1  }
0xbf: {  	_ =	sfence.sel $0xFFFF  }
0xc0: {  	[dreg:$0x0] =	wrdreg $0xFFFFFFFF;
	(pc) =	sbr.abs _section_cstart, $3  }
0xc1: {  	[dreg:$0x1] =	wrdreg $0xFFFFFFFF  }
0xc2: {  	_ =	task.clear_ibuf [dreg:s7], $0x2FFFF;
	_ =	strace $0x9FFFFFFF  }
0xc3: {  	(tm) =	ssettm $0x7FFFFFFF  }
tec
execute0_lowered:
.L_overlay_start_1:
0x0: {  	(tag) =	ssettag $0x1  }
0x1: {  	s6 =	rddreg [dreg:$0x0]  }
0x2: {  	s2 =	rddreg [dreg:$0x1]  }
0x3: {  	s3 =	rddreg [dreg:$0x2]  }
0x4: {  	s0 =	rddreg [dreg:$0x3];
	s4 =	srdreg.scid  }
0x5: {  	s1 =	stileid.u32;
	s12 =	simm.s32 $0x3AD0;
	s13 =	simm.s32 $0x13C0  }
0x6: {  	s14 =	simm.s32 $0x50;
	s15 =	simm.s32 $0x1;
	s16 =	simm.s32 $0x0  }
0x7: {  	s7 =	sand.u32 $0x1, s4;
	s8 =	smul.u32 $0x13C0, s1;
	s5 =	sshll.u32 s1, $0x1  }
0x8: {  	s4 =	simm.s32 $0x0;
	s9 =	smul.u32 $0x13C00, s7;
	s5 =	sor.u32 s7, s5  }
0x9: {  	[smem:$0x7FF] =	sst s4;
	s7 =	ssub.s32 $0x2, s7;
	s10 =	smul.u32 $0x2710, s5  }
0xa: {  	_ =	strace $0x80000047;
	s5 =	sadd.s32 $0x16600, s6;
	s9 =	sadd.s32 s8, s9  }
0xb: {  	s11 =	sshrl.u32 s7, $0x1;
	s9 =	sshrl.u32 s9, $0x3;
	s10 =	sshrl.u32 s10, $0x3  }
0xc: {  	s11 =	ssub.s32 s7, s11;
	s9 =	sadd.s32 s9, s6;
	s10 =	sadd.s32 s6, s10  }
0xd: {  	s6 =	sadd.s32 s8, s3;
	s7 =	sadd.s32 $0xC840, s10;
	s8 =	sadd.s32 $0x16800, s9  }
0xe: {  	s9 =	smax.u32 s11, $0x1;
	s10 =	simm.s32 $0x3D50;
	s11 =	simm.s32 $0x2  }
.LBB2_1:
0xf: {  	[tilespmem:s10], [sflag:$0x2] =	stream.linear.gather [hbm4b:s2+s4], $0x13C0, $0x38;
	[tilespmem:$0x5110] =	vst v63  }
0x10: {  	_ =	swait.ge [sflag:s11], $0x13C0  }
0x11: {  	[sflag:s11] =	ssyncset.done $0x0  }
0x12: {  	[sflag:s11] =	ssyncadd.s32 $0xFFFFEC40  }
0x13: {  	[spmem:s6] =	stream.linear.scatter [tilespmem:s10], [sflag:$0x2], $0x13C0, $0x38;
	[tilespmem:$0x5110] =	vst v63  }
0x14: {  	_ =	swait.ge [sflag:s11], $0x13C0  }
0x15: {  	[sflag:s11] =	ssyncset.done $0x0  }
0x16: {  	[sflag:s11] =	ssyncadd.s32 $0xFFFFEC40  }
0x17: {  	[tilespmem:s12], [sflag:$0x2] =	stream.linear.gather [hbm4b:s5+s4], $0x280, $0x38;
	[tilespmem:$0x5110] =	vst v63  }
0x18: {  	_ =	swait.ge [sflag:s11], $0x280  }
0x19: {  	[sflag:s11] =	ssyncset.done $0x0  }
0x1a: {  	[sflag:s11] =	ssyncadd.s32 $0xFFFFFD80  }
0x1b: {  	[tilespmem:s13], [sflag:$0x2] =	stream.linear.gather [hbm4b:s7+s4], $0x2710, $0x38;
	[tilespmem:$0x5110] =	vst v63  }
0x1c: {  	_ =	swait.ge [sflag:s11], $0x2710  }
0x1d: {  	[sflag:s11] =	ssyncset.done $0x0  }
0x1e: {  	[sflag:s11] =	ssyncadd.s32 $0xFFFFD8F0  }
0x1f: {  	s17 =	simm.s32 $0x13C0;
	[bflag:$0x0] =	sbarrier.arrive $0xFFFF  }
0x20: {  	[spmem:s3] =	stream.indirect.scatter.add.f32 [tilespmem:s12], [sflag:$0x1], $0x8, s17, s14, $0xb8;
	[tilespmem:$0x5110] =	vst v63  }
0x21: {  	s28 =	simm.s32 $0x1410  }
0x22: {  	[spmem:s3] =	stream.indirect.scatter.add.f32 [tilespmem:s12], [sflag:$0x1], $0x8, s28, s14, $0xb8;
	[tilespmem:$0x5110] =	vst v63  }
0x23: {  	s29 =	simm.s32 $0x1460  }
0x24: {  	[spmem:s3] =	stream.indirect.scatter.add.f32 [tilespmem:s12], [sflag:$0x1], $0x8, s29, s14, $0xb8;
	[tilespmem:$0x5110] =	vst v63  }
0x25: {  	s30 =	simm.s32 $0x14B0  }
0x26: {  	[spmem:s3] =	stream.indirect.scatter.add.f32 [tilespmem:s12], [sflag:$0x1], $0x8, s30, s14, $0xb8;
	[tilespmem:$0x5110] =	vst v63  }
0x27: {  	s31 =	simm.s32 $0x1500  }
0x28: {  	[spmem:s3] =	stream.indirect.scatter.add.f32 [tilespmem:s12], [sflag:$0x1], $0x8, s31, s14, $0xb8;
	[tilespmem:$0x5110] =	vst v63  }
0x29: {  	_ =	swait.ge [sflag:s15], $0x280  }
0x2a: {  	[sflag:s15] =	ssyncset.done $0x0  }
0x2b: {  	[sflag:s15] =	ssyncadd.s32 $0xFFFFFD80  }
0x2c: {  	_ =	swait.ge [sflag:s15], $0x280  }
0x2d: {  	[sflag:s15] =	ssyncset.done $0x0  }
0x2e: {  	[sflag:s15] =	ssyncadd.s32 $0xFFFFFD80  }
0x2f: {  	_ =	swait.ge [sflag:s15], $0x280  }
0x30: {  	[sflag:s15] =	ssyncset.done $0x0  }
0x31: {  	[sflag:s15] =	ssyncadd.s32 $0xFFFFFD80  }
0x32: {  	_ =	swait.ge [sflag:s15], $0x280  }
0x33: {  	[sflag:s15] =	ssyncset.done $0x0  }
0x34: {  	[sflag:s15] =	ssyncadd.s32 $0xFFFFFD80  }
0x35: {  	_ =	swait.ge [sflag:s15], $0x280  }
0x36: {  	s18 =	simm.s32 $0xC80;
	s17 =	simm.s32 $0x190;
	[sflag:s15] =	ssyncset.done $0x0  }
.LBB2_2:
0x37: {  	s19 =	sadd.s32 $0x13C0, s17  }
0x38: {  	[sflag:s15] =	ssyncadd.s32 $0xFFFFFD80;
	s20 =	smov.u32 s18;
	s21 =	sadd.s32 $0x640, s18  }
0x39: {  	[spmem:s3] =	stream.indirect.scatter.add.f32 [tilespmem:s12], [sflag:$0x1], $0x8, s19, s14, $0xb8;
	[tilespmem:$0x5110] =	vst v63  }
0x3a: {  	p0 =	sne.s32 s18, $0x9600;
	s18 =	sadd.s32 $0x1410, s17  }
0x3b: {  	[spmem:s3] =	stream.indirect.scatter.add.f32 [tilespmem:s12], [sflag:$0x1], $0x8, s18, s14, $0xb8;
	[tilespmem:$0x5110] =	vst v63  }
0x3c: {  	s18 =	sadd.s32 $0x1460, s17  }
0x3d: {  	[spmem:s3] =	stream.indirect.scatter.add.f32 [tilespmem:s12], [sflag:$0x1], $0x8, s18, s14, $0xb8;
	[tilespmem:$0x5110] =	vst v63  }
0x3e: {  	s18 =	sadd.s32 $0x14B0, s17  }
0x3f: {  	[spmem:s3] =	stream.indirect.scatter.add.f32 [tilespmem:s12], [sflag:$0x1], $0x8, s18, s14, $0xb8;
	[tilespmem:$0x5110] =	vst v63  }
0x40: {  	s17 =	sadd.s32 $0x1500, s17  }
0x41: {  	[spmem:s3] =	stream.indirect.scatter.add.f32 [tilespmem:s12], [sflag:$0x1], $0x8, s17, s14, $0xb8;
	[tilespmem:$0x5110] =	vst v63  }
0x42: {  	_ =	swait.ge [sflag:s15], $0x280  }
0x43: {  	[sflag:s15] =	ssyncset.done $0x0  }
0x44: {  	[sflag:s15] =	ssyncadd.s32 $0xFFFFFD80  }
0x45: {  	_ =	swait.ge [sflag:s15], $0x280  }
0x46: {  	[sflag:s15] =	ssyncset.done $0x0  }
0x47: {  	[sflag:s15] =	ssyncadd.s32 $0xFFFFFD80  }
0x48: {  	_ =	swait.ge [sflag:s15], $0x280  }
0x49: {  	[sflag:s15] =	ssyncset.done $0x0  }
0x4a: {  	[sflag:s15] =	ssyncadd.s32 $0xFFFFFD80  }
.Ltmp0:
0x4b: {  	_ =	swait.ge [sflag:s15], $0x280;
	(pc) =	sbr.rel @p0 .LBB2_2-.Ltmp0, $4  }
0x4c: {  	[sflag:s15] =	ssyncset.done $0x0  }
0x4d: {  	[sflag:s15] =	ssyncadd.s32 $0xFFFFFD80  }
0x4e: {  	_ =	swait.ge [sflag:s15], $0x280  }
0x4f: {  	s18 =	smov.u32 s21;
	s17 =	sshra.s32 s20, $0x2;
	[sflag:s15] =	ssyncset.done $0x0  }
0x50: {  	s18 =	sadd.s32 $0x13C0, s17;
	[sflag:s15] =	ssyncadd.s32 $0xFFFFFD80  }
0x51: {  	[spmem:s3] =	stream.indirect.scatter.add.f32 [tilespmem:s12], [sflag:$0x1], $0x8, s18, s14, $0xb8;
	[tilespmem:$0x5110] =	vst v63  }
0x52: {  	s28 =	sadd.s32 $0x1410, s17  }
0x53: {  	[spmem:s3] =	stream.indirect.scatter.add.f32 [tilespmem:s12], [sflag:$0x1], $0x8, s28, s14, $0xb8;
	[tilespmem:$0x5110] =	vst v63  }
0x54: {  	s29 =	sadd.s32 $0x1460, s17  }
0x55: {  	[spmem:s3] =	stream.indirect.scatter.add.f32 [tilespmem:s12], [sflag:$0x1], $0x8, s29, s14, $0xb8;
	[tilespmem:$0x5110] =	vst v63  }
0x56: {  	s30 =	sadd.s32 $0x14B0, s17  }
0x57: {  	[spmem:s3] =	stream.indirect.scatter.add.f32 [tilespmem:s12], [sflag:$0x1], $0x8, s30, s14, $0xb8;
	[tilespmem:$0x5110] =	vst v63  }
0x58: {  	s31 =	sadd.s32 $0x1500, s17  }
0x59: {  	[spmem:s3] =	stream.indirect.scatter.add.f32 [tilespmem:s12], [sflag:$0x1], $0x8, s31, s14, $0xb8;
	[tilespmem:$0x5110] =	vst v63  }
0x5a: {  	_ =	swait.ge [sflag:s15], $0x280  }
0x5b: {  	[sflag:s15] =	ssyncset.done $0x0  }
0x5c: {  	[sflag:s15] =	ssyncadd.s32 $0xFFFFFD80  }
0x5d: {  	_ =	swait.ge [sflag:s15], $0x280  }
0x5e: {  	[sflag:s15] =	ssyncset.done $0x0  }
0x5f: {  	[sflag:s15] =	ssyncadd.s32 $0xFFFFFD80  }
0x60: {  	_ =	swait.ge [sflag:s15], $0x280  }
0x61: {  	[sflag:s15] =	ssyncset.done $0x0  }
0x62: {  	[sflag:s15] =	ssyncadd.s32 $0xFFFFFD80  }
0x63: {  	_ =	swait.ge [sflag:s15], $0x280  }
0x64: {  	[sflag:s15] =	ssyncset.done $0x0  }
0x65: {  	[sflag:s15] =	ssyncadd.s32 $0xFFFFFD80  }
0x66: {  	_ =	swait.ge [sflag:s15], $0x280  }
0x67: {  	[sflag:s15] =	ssyncset.done $0x0  }
0x68: {  	[sflag:s15] =	ssyncadd.s32 $0xFFFFFD80  }
0x69: {  	[bflag:$0x0] =	sbarrier.arrive $0xFFFF  }
0x6a: {  	[tilespmem:s10], [sflag:$0x2] =	stream.linear.gather [spmem:s6], $0x13C0, $0x38;
	[tilespmem:$0x5110] =	vst v63  }
0x6b: {  	s16 =	sadd.s32 $0x1, s16;
	_ =	swait.ge [sflag:s11], $0x13C0  }
0x6c: {  	p0 =	sne.s32 s16, s9;
	[sflag:s11] =	ssyncset.done $0x0  }
.Ltmp1:
0x6d: {  	[sflag:s11] =	ssyncadd.s32 $0xFFFFEC40;
	(pc) =	sbr.rel @p0 .LBB2_1-.Ltmp1, $4  }
0x6e: {  	[hbm4b:s8+s4] =	stream.linear.scatter [tilespmem:s10], [sflag:$0x2], $0x13C0, $0x38;
	[tilespmem:$0x5110] =	vst v63  }
0x6f: {  	_ =	swait.ge [sflag:s11], $0x13C0  }
0x70: {  	[sflag:s11] =	ssyncset.done $0x0  }
0x71: {  	[sflag:s11] =	ssyncadd.s32 $0xFFFFEC40  }
0x72: {  	_ =	sfence.sel $0x180000  }
0x73: {  	[bflag:$0x0] =	sbarrier.arrive $0xFFFF  }
0x74: {  	p0 =	sne.s32 s1, $0x0;
	_ =	strace $0x90000047  }
0x75: {  	s0 =	sadd.s32 @!p0 $0x100000, s0;
	[bflag:$0x2] =	sbarrier.arrive $0xFFFF  }
0x76: {  	[sflag:s0] =	ssyncadd.tile.s32 @!p0 $0x1;
	_ =	shalt  }
.Lfunc_end2:
_tile_overlayer_lowered:
.L_overlay_start_2:
0x77: {  	(tag) =	ssettag $0x2  }
0x78: {  	s0 =	rddreg [dreg:$0x0];
	s2 =	stileid.u32  }
0x79: {  	s1 =	rddreg [dreg:$0x1];
	p0 =	sne.s32 s2, $0x0  }
0x7a: {  	s3 =	rddreg [dreg:$0x2];
	[bflag:$0x3] =	sbarrier.arrive $0xFFFF;
	s2 =	simm.s32 @!p0 $0x1C02  }
0x7b: {  	[timem:s3], [sflag:s2] =	dma.local @!p0 [hbm:s0], s1  }
0x7c: {  	s0 =	simm.s32 @!p0 $0x2  }
0x7d: {  	_ =	swait.ge @!p0 [sflag:s0], s1  }
0x7e: {  	s1 =	ssub.s32 @!p0 $0x0, s1;
	[sflag:s0] =	ssyncset.done @!p0 $0x0  }
0x7f: {  	[sflag:s0] =	ssyncadd.s32 @!p0 s1  }
0x80: {  	[bflag:$0x3] =	sbarrier.arrive $0xFFFF  }
0x81: {  	_ =	shalt  }

</sc_bundles>
